<compile_context>
chip_gen: v7x
topology: tpu7x:2x2x1
jax: 0.10.2.dev20260603
libtpu: 0.0.44.dev20260713+nightly
codegen_flags: <defaults>
</compile_context>

<pallas_src>
import functools

import jax
import jax.numpy as jnp
from jax.experimental import pallas as pl
from jax.experimental.pallas import tpu as pltpu
from jax.experimental.pallas import tpu_sc as plsc

_N = 5000
_THR = 0.6
_B = 1024
_NP = 5120
_NB = _NP // _B

_NW = 32
_BPW = _NP // _NW
_CH = _BPW // 2


def _sc_gather_body(tbl_hbm, idx_hbm, out_hbm, idx_v, rows_v, sem):
    wid = jax.lax.axis_index("s") * 2 + jax.lax.axis_index("c")
    for c in range(_BPW // _CH):
        base = wid * _BPW + c * _CH
        pltpu.sync_copy(idx_hbm.at[pl.ds(base, _CH)], idx_v)
        pltpu.async_copy(tbl_hbm.at[idx_v], rows_v, sem).wait()
        pltpu.sync_copy(rows_v, out_hbm.at[pl.ds(base, _CH)])


_sc_gather = functools.partial(
    pl.kernel,
    mesh=plsc.VectorSubcoreMesh(core_axis_name="c", subcore_axis_name="s"),
    out_type=jax.ShapeDtypeStruct((_NP, 16), jnp.float32),
    scratch_types=[
        pltpu.VMEM((_CH,), jnp.int32),
        pltpu.VMEM((_CH, 16), jnp.float32),
        pltpu.SemaphoreType.DMA,
    ],
    compiler_params=pltpu.CompilerParams(use_tc_tiling_on_sc=False),
)(_sc_gather_body)


def _nms_body(cint_ref, out_ref, keep_ref, cin_ref):
    keep_ref[...] = jnp.ones((1, _NP), jnp.float32)
    cin_ref[...] = cint_ref[...].T

    rid = jax.lax.broadcasted_iota(jnp.int32, (_B, _B), 0)
    cid = jax.lax.broadcasted_iota(jnp.int32, (_B, _B), 1)
    upper = cid > rid

    def tile_sup(i, m, mask=None):
        br = cint_ref[pl.ds(i * _B, _B), :]
        bc = cin_ref[:, pl.ds(m * _B, _B)]
        x1r, y1r, x2r, y2r = br[:, 0:1], br[:, 1:2], br[:, 2:3], br[:, 3:4]
        x1c, y1c, x2c, y2c = bc[0:1, :], bc[1:2, :], bc[2:3, :], bc[3:4, :]
        ar = jnp.maximum(x2r - x1r, 0.0) * jnp.maximum(y2r - y1r, 0.0)
        ac = jnp.maximum(x2c - x1c, 0.0) * jnp.maximum(y2c - y1c, 0.0)
        xx1 = jnp.maximum(x1r, x1c)
        yy1 = jnp.maximum(y1r, y1c)
        xx2 = jnp.minimum(x2r, x2c)
        yy2 = jnp.minimum(y2r, y2c)
        inter = jnp.maximum(xx2 - xx1, 0.0) * jnp.maximum(yy2 - yy1, 0.0)
        union = ar + ac - inter
        iou = inter / union
        sup = iou > _THR
        if mask is not None:
            sup = sup & mask
        return sup.astype(jnp.float32)

    def matvec(kb, sup):
        return jax.lax.dot_general(
            kb, sup, (((1,), (0,)), ((), ())),
            preferred_element_type=jnp.float32)

    for i in range(_NB):
        supd = tile_sup(i, i, mask=upper)
        inc = keep_ref[:, pl.ds(i * _B, _B)]

        def fp_cond(c):
            return c[1] > 0

        def fp_body(c, supd=supd, inc=inc):
            kb, _ = c
            cnt = matvec(kb, supd)
            new = inc * (cnt == 0.0).astype(jnp.float32)
            changed = jnp.any(new != kb).astype(jnp.int32)
            return (new, changed)

        kb, _ = jax.lax.while_loop(fp_cond, fp_body, (inc, jnp.int32(1)))
        keep_ref[:, pl.ds(i * _B, _B)] = kb

        for m in range(i + 1, _NB):
            cnt = matvec(kb, tile_sup(i, m))
            kr = keep_ref[:, pl.ds(m * _B, _B)]
            keep_ref[:, pl.ds(m * _B, _B)] = kr * (cnt == 0.0).astype(
                jnp.float32)

    k = keep_ref[...]
    out_ref[0:4, :] = cin_ref[0:4, :] * k
    out_ref[4:5, :] = jnp.sqrt(jnp.maximum(cin_ref[4:5, :], 1e-8)) * k
    out_ref[5:8, :] = jnp.zeros((3, _NP), jnp.float32)


def kernel(boxes, scores):
    _, order = jax.lax.sort_key_val(
        -scores, jnp.arange(_N, dtype=jnp.int32))
    tbl16 = jnp.pad(
        jnp.concatenate([boxes, scores[:, None]], axis=1),
        ((0, 0), (0, 11)))
    orderp = jnp.pad(order, (0, _NP - _N))
    cint = _sc_gather(tbl16, orderp)
    out8 = pl.pallas_call(
        _nms_body,
        out_shape=jax.ShapeDtypeStruct((8, _NP), jnp.float32),
        scratch_shapes=[
            pltpu.VMEM((1, _NP), jnp.float32),
            pltpu.VMEM((16, _NP), jnp.float32),
        ],
    )(cint)
    return out8[:5, :_N].T

# --- scband reference (transcript-rebuilt; emitter-appended) ---
"""Pipeline reference for scband-topograph-32315333935161 (READ-ONLY COPY).

The authoritative reference and input builder live on the scoring server;
editing this copy changes nothing except your own understanding.
"""

import jax, jax.numpy as jnp
import numpy as np

N_BOXES = 5000
NMS_THRESHOLD = 0.6


def _iou_matrix(boxes):
    x1 = boxes[:, 0]
    y1 = boxes[:, 1]
    x2 = boxes[:, 2]
    y2 = boxes[:, 3]
    area = jnp.clip(x2 - x1, 0.0) * jnp.clip(y2 - y1, 0.0)
    xx1 = jnp.maximum(x1[:, None], x1[None, :])
    yy1 = jnp.maximum(y1[:, None], y1[None, :])
    xx2 = jnp.minimum(x2[:, None], x2[None, :])
    yy2 = jnp.minimum(y2[:, None], y2[None, :])
    inter = jnp.clip(xx2 - xx1, 0.0) * jnp.clip(yy2 - yy1, 0.0)
    union = area[:, None] + area[None, :] - inter
    return inter / jnp.maximum(union, 1e-9)


def setup_inputs(seed: int = 0):
    key = jax.random.key(seed)
    k1, k2, k3 = jax.random.split(key, 3)
    ctr = jax.random.uniform(k1, (N_BOXES, 2), dtype=jnp.float32) * 1024.0
    wh = jax.random.uniform(k2, (N_BOXES, 2), dtype=jnp.float32) * 128.0 + 4.0
    boxes = jnp.concatenate([ctr - wh * 0.5, ctr + wh * 0.5], axis=1)
    scores = jax.random.uniform(k3, (N_BOXES,), dtype=jnp.float32)
    return {"boxes": boxes, "scores": scores}


def reference(boxes, scores):
    # Greedy hard NMS (boxlist_nms semantics from FCOSPostprocessor):
    # sort by score desc, sequentially suppress lower-scored boxes with IoU > thr.
    n = boxes.shape[0]
    order = jnp.argsort(-scores)
    b = boxes[order]
    s = scores[order]
    iou = jax.lax.stop_gradient(_iou_matrix(b))
    idx = jnp.arange(n)

    def body(keep, i):
        suppress = (iou[i] > NMS_THRESHOLD) & (idx > i) & keep[i]
        return keep & (~suppress), None

    keep, _ = jax.lax.scan(body, jnp.ones((n,), dtype=bool), idx)
    keepf = keep.astype(b.dtype)
    # score = sqrt(cls_p) as in FCOSPostprocessor; suppressed boxes zeroed (fixed shape).
    scores_out = jnp.sqrt(jnp.clip(s, 1e-8)) * keepf
    out = jnp.concatenate([b * keepf[:, None], scores_out[:, None]], axis=1)
    return out

if __name__ == "__main__":
    import jax
    _d = setup_inputs()
    print(jax.jit(kernel)(*tuple(_d.values())))

</pallas_src>

<mosaic_0001>
#map = affine_map<(d0, d1) -> (0, 0)>
#map1 = affine_map<(d0, d1) -> (0)>
module attributes {stable_mosaic.version = 14 : i64} {
  func.func @_sc_gather_body(%arg0: i32, %arg1: i32, %arg2: memref<5000x16xf32, #tpu.memory_space<hbm>>, %arg3: memref<5120xi32, #tpu.memory_space<hbm>>, %arg4: memref<5120x16xf32, #tpu.memory_space<hbm>>, %arg5: memref<80xi32, #tpu.memory_space<vmem>>, %arg6: memref<80x16xf32, #tpu.memory_space<vmem>>, %arg7: memref<!tpu.dma_semaphore, #tpu.memory_space<semaphore_mem>>) attributes {dimension_semantics = [#tpu.dimension_semantics<core_parallel>, #tpu.dimension_semantics<subcore_parallel>], iteration_bounds = array<i64: 2, 16>, scalar_prefetch = 0 : i64, scratch_operands = 3 : i64, tpu.core_type = #tpu.core_type<sc_vector_subcore>, window_params = [{transform_indices = #map}, {transform_indices = #map1}, {transform_indices = #map}]} {
    %mul3A = arith.constant 2 : i32
    %mul3A_0 = arith.muli %arg1, %mul3A : i32
    %add3A = arith.addi %mul3A_0, %arg0 : i32
    %mul3A_1 = arith.constant 160 : i32
    %mul3A_2 = arith.muli %add3A, %mul3A_1 : i32
    %add3A_3 = arith.constant 0 : i32
    %add3A_4 = arith.addi %mul3A_2, %add3A_3 : i32
    "tpu.region"() ({
      %run_scoped3A = tpu.sem_alloc : memref<!tpu.dma_semaphore, #tpu.memory_space<semaphore_mem>>
      %dma_start3A_19 = tpu.memref_slice %arg3[%add3A_4] : memref<5120xi32, #tpu.memory_space<hbm>> -> memref<80xi32, #tpu.memory_space<hbm>>
      %dma_start3A_20 = tpu.memref_slice %arg3[%add3A_4] : memref<5120xi32, #tpu.memory_space<hbm>> -> memref<80xi32, #tpu.memory_space<hbm>>
      tpu.enqueue_dma source(%dma_start3A_20 : memref<80xi32, #tpu.memory_space<hbm>>) target(%arg5 : memref<80xi32, #tpu.memory_space<vmem>>) target_semaphore(%run_scoped3A : memref<!tpu.dma_semaphore, #tpu.memory_space<semaphore_mem>>)
      %dma_wait3A_21 = tpu.memref_slice %arg3[%add3A_4] : memref<5120xi32, #tpu.memory_space<hbm>> -> memref<80xi32, #tpu.memory_space<hbm>>
      %dma_wait3A_22 = tpu.memref_slice %arg3[%add3A_4] : memref<5120xi32, #tpu.memory_space<hbm>> -> memref<80xi32, #tpu.memory_space<hbm>>
      tpu.wait_dma2 semaphore(%run_scoped3A : memref<!tpu.dma_semaphore, #tpu.memory_space<semaphore_mem>>) src(%dma_wait3A_22 : memref<80xi32, #tpu.memory_space<hbm>>) dst(%arg5 : memref<80xi32, #tpu.memory_space<vmem>>)
      tpu.yield
    }) : () -> ()
    %dma_start3A = arith.constant 0 : i32
    %dma_start3A_5 = arith.constant 0 : i32
    %dma_start3A_6 = tpu.memref_slice %arg2[%dma_start3A, %dma_start3A_5] : memref<5000x16xf32, #tpu.memory_space<hbm>> -> memref<5000x16xf32, #tpu.memory_space<hbm>>
    tpu.enqueue_indirect_dma source(%dma_start3A_6 : memref<5000x16xf32, #tpu.memory_space<hbm>>) target(%arg6 : memref<80x16xf32, #tpu.memory_space<vmem>>) offsets(%arg5 : memref<80xi32, #tpu.memory_space<vmem>>) semaphore(%arg7 : memref<!tpu.dma_semaphore, #tpu.memory_space<semaphore_mem>>)
    %dma_wait3A = arith.constant 0 : i32
    %dma_wait3A_7 = arith.constant 0 : i32
    %dma_wait3A_8 = tpu.memref_slice %arg2[%dma_wait3A, %dma_wait3A_7] : memref<5000x16xf32, #tpu.memory_space<hbm>> -> memref<5000x16xf32, #tpu.memory_space<hbm>>
    tpu.wait_indirect_dma semaphore(%arg7 : memref<!tpu.dma_semaphore, #tpu.memory_space<semaphore_mem>>) src(%dma_wait3A_8 : memref<5000x16xf32, #tpu.memory_space<hbm>>) dst(%arg6 : memref<80x16xf32, #tpu.memory_space<vmem>>)
    "tpu.region"() ({
      %run_scoped3A = tpu.sem_alloc : memref<!tpu.dma_semaphore, #tpu.memory_space<semaphore_mem>>
      %dma_start3A_19 = arith.constant 0 : i32
      %dma_start3A_20 = tpu.memref_slice %arg4[%add3A_4, %dma_start3A_19] : memref<5120x16xf32, #tpu.memory_space<hbm>> -> memref<80x16xf32, #tpu.memory_space<hbm>>
      %dma_start3A_21 = arith.constant 0 : i32
      %dma_start3A_22 = tpu.memref_slice %arg4[%add3A_4, %dma_start3A_21] : memref<5120x16xf32, #tpu.memory_space<hbm>> -> memref<80x16xf32, #tpu.memory_space<hbm>>
      tpu.enqueue_dma source(%arg6 : memref<80x16xf32, #tpu.memory_space<vmem>>) target(%dma_start3A_22 : memref<80x16xf32, #tpu.memory_space<hbm>>) target_semaphore(%run_scoped3A : memref<!tpu.dma_semaphore, #tpu.memory_space<semaphore_mem>>)
      %dma_wait3A_23 = arith.constant 0 : i32
      %dma_wait3A_24 = tpu.memref_slice %arg4[%add3A_4, %dma_wait3A_23] : memref<5120x16xf32, #tpu.memory_space<hbm>> -> memref<80x16xf32, #tpu.memory_space<hbm>>
      %dma_wait3A_25 = arith.constant 0 : i32
      %dma_wait3A_26 = tpu.memref_slice %arg4[%add3A_4, %dma_wait3A_25] : memref<5120x16xf32, #tpu.memory_space<hbm>> -> memref<80x16xf32, #tpu.memory_space<hbm>>
      tpu.wait_dma2 semaphore(%run_scoped3A : memref<!tpu.dma_semaphore, #tpu.memory_space<semaphore_mem>>) src(%arg6 : memref<80x16xf32, #tpu.memory_space<vmem>>) dst(%dma_wait3A_26 : memref<80x16xf32, #tpu.memory_space<hbm>>)
      tpu.yield
    }) : () -> ()
    %mul3A_9 = arith.constant 160 : i32
    %mul3A_10 = arith.muli %add3A, %mul3A_9 : i32
    %add3A_11 = arith.constant 80 : i32
    %add3A_12 = arith.addi %mul3A_10, %add3A_11 : i32
    "tpu.region"() ({
      %run_scoped3A = tpu.sem_alloc : memref<!tpu.dma_semaphore, #tpu.memory_space<semaphore_mem>>
      %dma_start3A_19 = tpu.memref_slice %arg3[%add3A_12] : memref<5120xi32, #tpu.memory_space<hbm>> -> memref<80xi32, #tpu.memory_space<hbm>>
      %dma_start3A_20 = tpu.memref_slice %arg3[%add3A_12] : memref<5120xi32, #tpu.memory_space<hbm>> -> memref<80xi32, #tpu.memory_space<hbm>>
      tpu.enqueue_dma source(%dma_start3A_20 : memref<80xi32, #tpu.memory_space<hbm>>) target(%arg5 : memref<80xi32, #tpu.memory_space<vmem>>) target_semaphore(%run_scoped3A : memref<!tpu.dma_semaphore, #tpu.memory_space<semaphore_mem>>)
      %dma_wait3A_21 = tpu.memref_slice %arg3[%add3A_12] : memref<5120xi32, #tpu.memory_space<hbm>> -> memref<80xi32, #tpu.memory_space<hbm>>
      %dma_wait3A_22 = tpu.memref_slice %arg3[%add3A_12] : memref<5120xi32, #tpu.memory_space<hbm>> -> memref<80xi32, #tpu.memory_space<hbm>>
      tpu.wait_dma2 semaphore(%run_scoped3A : memref<!tpu.dma_semaphore, #tpu.memory_space<semaphore_mem>>) src(%dma_wait3A_22 : memref<80xi32, #tpu.memory_space<hbm>>) dst(%arg5 : memref<80xi32, #tpu.memory_space<vmem>>)
      tpu.yield
    }) : () -> ()
    %dma_start3A_13 = arith.constant 0 : i32
    %dma_start3A_14 = arith.constant 0 : i32
    %dma_start3A_15 = tpu.memref_slice %arg2[%dma_start3A_13, %dma_start3A_14] : memref<5000x16xf32, #tpu.memory_space<hbm>> -> memref<5000x16xf32, #tpu.memory_space<hbm>>
    tpu.enqueue_indirect_dma source(%dma_start3A_15 : memref<5000x16xf32, #tpu.memory_space<hbm>>) target(%arg6 : memref<80x16xf32, #tpu.memory_space<vmem>>) offsets(%arg5 : memref<80xi32, #tpu.memory_space<vmem>>) semaphore(%arg7 : memref<!tpu.dma_semaphore, #tpu.memory_space<semaphore_mem>>)
    %dma_wait3A_16 = arith.constant 0 : i32
    %dma_wait3A_17 = arith.constant 0 : i32
    %dma_wait3A_18 = tpu.memref_slice %arg2[%dma_wait3A_16, %dma_wait3A_17] : memref<5000x16xf32, #tpu.memory_space<hbm>> -> memref<5000x16xf32, #tpu.memory_space<hbm>>
    tpu.wait_indirect_dma semaphore(%arg7 : memref<!tpu.dma_semaphore, #tpu.memory_space<semaphore_mem>>) src(%dma_wait3A_18 : memref<5000x16xf32, #tpu.memory_space<hbm>>) dst(%arg6 : memref<80x16xf32, #tpu.memory_space<vmem>>)
    "tpu.region"() ({
      %run_scoped3A = tpu.sem_alloc : memref<!tpu.dma_semaphore, #tpu.memory_space<semaphore_mem>>
      %dma_start3A_19 = arith.constant 0 : i32
      %dma_start3A_20 = tpu.memref_slice %arg4[%add3A_12, %dma_start3A_19] : memref<5120x16xf32, #tpu.memory_space<hbm>> -> memref<80x16xf32, #tpu.memory_space<hbm>>
      %dma_start3A_21 = arith.constant 0 : i32
      %dma_start3A_22 = tpu.memref_slice %arg4[%add3A_12, %dma_start3A_21] : memref<5120x16xf32, #tpu.memory_space<hbm>> -> memref<80x16xf32, #tpu.memory_space<hbm>>
      tpu.enqueue_dma source(%arg6 : memref<80x16xf32, #tpu.memory_space<vmem>>) target(%dma_start3A_22 : memref<80x16xf32, #tpu.memory_space<hbm>>) target_semaphore(%run_scoped3A : memref<!tpu.dma_semaphore, #tpu.memory_space<semaphore_mem>>)
      %dma_wait3A_23 = arith.constant 0 : i32
      %dma_wait3A_24 = tpu.memref_slice %arg4[%add3A_12, %dma_wait3A_23] : memref<5120x16xf32, #tpu.memory_space<hbm>> -> memref<80x16xf32, #tpu.memory_space<hbm>>
      %dma_wait3A_25 = arith.constant 0 : i32
      %dma_wait3A_26 = tpu.memref_slice %arg4[%add3A_12, %dma_wait3A_25] : memref<5120x16xf32, #tpu.memory_space<hbm>> -> memref<80x16xf32, #tpu.memory_space<hbm>>
      tpu.wait_dma2 semaphore(%run_scoped3A : memref<!tpu.dma_semaphore, #tpu.memory_space<semaphore_mem>>) src(%arg6 : memref<80x16xf32, #tpu.memory_space<vmem>>) dst(%dma_wait3A_26 : memref<80x16xf32, #tpu.memory_space<hbm>>)
      tpu.yield
    }) : () -> ()
    return
  }
}

module attributes {stable_mosaic.version = 14 : i64} {
  func.func @_nms_body(%arg0: memref<5120x16xf32, #tpu.memory_space<vmem>>, %arg1: memref<8x5120xf32, #tpu.memory_space<vmem>>, %arg2: memref<1x5120xf32, #tpu.memory_space<vmem>>, %arg3: memref<16x5120xf32, #tpu.memory_space<vmem>>) attributes {dimension_semantics = [], scalar_prefetch = 0 : i64, scratch_operands = 2 : i64, tpu.core_type = #tpu.core_type<tc>} {
    %broadcast_in_dim3A = arith.constant 1.000000e+00 : f32
    %broadcast_in_dim3A_0 = vector.broadcast %broadcast_in_dim3A : f32 to vector<1x5120xf32>
    %swap3A = arith.constant 0 : index
    %swap3A_1 = arith.constant 0 : index
    %swap3A_2 = vector.load %arg2[%swap3A, %swap3A_1] : memref<1x5120xf32, #tpu.memory_space<vmem>>, vector<1x5120xf32>
    tpu.vector_store %arg2[%swap3A, %swap3A_1], %broadcast_in_dim3A_0 {strides = array<i32>} : memref<1x5120xf32, #tpu.memory_space<vmem>>, vector<1x5120xf32>,
    %get3A = arith.constant 0 : index
    %get3A_3 = arith.constant 0 : index
    %get3A_4 = vector.load %arg0[%get3A, %get3A_3] : memref<5120x16xf32, #tpu.memory_space<vmem>>, vector<5120x16xf32>
    %transpose3A = tpu.transpose %get3A_4, [1, 0] : vector<5120x16xf32> -> vector<16x5120xf32>
    %swap3A_5 = arith.constant 0 : index
    %swap3A_6 = arith.constant 0 : index
    %swap3A_7 = vector.load %arg3[%swap3A_5, %swap3A_6] : memref<16x5120xf32, #tpu.memory_space<vmem>>, vector<16x5120xf32>
    tpu.vector_store %arg3[%swap3A_5, %swap3A_6], %transpose3A {strides = array<i32>} : memref<16x5120xf32, #tpu.memory_space<vmem>>, vector<16x5120xf32>,
    %iota3A = tpu.iota {dimensions = array<i32: 0>} : vector<1024x1024xi32>
    %iota3A_8 = tpu.iota {dimensions = array<i32: 1>} : vector<1024x1024xi32>
    %gt3A = arith.cmpi sgt, %iota3A_8, %iota3A : vector<1024x1024xi32>
    %get3A_9 = arith.constant 0 : index
    %get3A_10 = arith.constant 0 : index
    %get3A_11 = vector.load %arg0[%get3A_9, %get3A_10] : memref<5120x16xf32, #tpu.memory_space<vmem>>, vector<1024x16xf32>
    %get3A_12 = arith.constant 0 : index
    %get3A_13 = arith.constant 0 : index
    %get3A_14 = vector.load %arg3[%get3A_12, %get3A_13] : memref<16x5120xf32, #tpu.memory_space<vmem>>, vector<16x1024xf32>
    %slice3A = vector.extract_strided_slice %get3A_11 {offsets = [0, 0], sizes = [1024, 1], strides = [1, 1]} : vector<1024x16xf32> to vector<1024x1xf32>
    %slice3A_15 = vector.extract_strided_slice %get3A_11 {offsets = [0, 1], sizes = [1024, 1], strides = [1, 1]} : vector<1024x16xf32> to vector<1024x1xf32>
    %slice3A_16 = vector.extract_strided_slice %get3A_11 {offsets = [0, 2], sizes = [1024, 1], strides = [1, 1]} : vector<1024x16xf32> to vector<1024x1xf32>
    %slice3A_17 = vector.extract_strided_slice %get3A_11 {offsets = [0, 3], sizes = [1024, 1], strides = [1, 1]} : vector<1024x16xf32> to vector<1024x1xf32>
    %slice3A_18 = vector.extract_strided_slice %get3A_14 {offsets = [0, 0], sizes = [1, 1024], strides = [1, 1]} : vector<16x1024xf32> to vector<1x1024xf32>
    %slice3A_19 = vector.extract_strided_slice %get3A_14 {offsets = [1, 0], sizes = [1, 1024], strides = [1, 1]} : vector<16x1024xf32> to vector<1x1024xf32>
    %slice3A_20 = vector.extract_strided_slice %get3A_14 {offsets = [2, 0], sizes = [1, 1024], strides = [1, 1]} : vector<16x1024xf32> to vector<1x1024xf32>
    %slice3A_21 = vector.extract_strided_slice %get3A_14 {offsets = [3, 0], sizes = [1, 1024], strides = [1, 1]} : vector<16x1024xf32> to vector<1x1024xf32>
    %sub3A = arith.subf %slice3A_16, %slice3A : vector<1024x1xf32>
    %max3A = arith.constant 0.000000e+00 : f32
    %max3A_22 = vector.broadcast %max3A : f32 to vector<1024x1xf32>
    %max3A_23 = arith.maximumf %sub3A, %max3A_22 : vector<1024x1xf32>
    %sub3A_24 = arith.subf %slice3A_17, %slice3A_15 : vector<1024x1xf32>
    %max3A_25 = arith.constant 0.000000e+00 : f32
    %max3A_26 = vector.broadcast %max3A_25 : f32 to vector<1024x1xf32>
    %max3A_27 = arith.maximumf %sub3A_24, %max3A_26 : vector<1024x1xf32>
    %mul3A = arith.mulf %max3A_23, %max3A_27 : vector<1024x1xf32>
    %sub3A_28 = arith.subf %slice3A_20, %slice3A_18 : vector<1x1024xf32>
    %max3A_29 = arith.constant 0.000000e+00 : f32
    %max3A_30 = vector.broadcast %max3A_29 : f32 to vector<1x1024xf32>
    %max3A_31 = arith.maximumf %sub3A_28, %max3A_30 : vector<1x1024xf32>
    %sub3A_32 = arith.subf %slice3A_21, %slice3A_19 : vector<1x1024xf32>
    %max3A_33 = arith.constant 0.000000e+00 : f32
    %max3A_34 = vector.broadcast %max3A_33 : f32 to vector<1x1024xf32>
    %max3A_35 = arith.maximumf %sub3A_32, %max3A_34 : vector<1x1024xf32>
    %mul3A_36 = arith.mulf %max3A_31, %max3A_35 : vector<1x1024xf32>
    %max3A_37 = vector.broadcast %slice3A : vector<1024x1xf32> to vector<1024x1024xf32>
    %max3A_38 = vector.broadcast %slice3A_18 : vector<1x1024xf32> to vector<1024x1024xf32>
    %max3A_39 = arith.maximumf %max3A_37, %max3A_38 : vector<1024x1024xf32>
    %max3A_40 = vector.broadcast %slice3A_15 : vector<1024x1xf32> to vector<1024x1024xf32>
    %max3A_41 = vector.broadcast %slice3A_19 : vector<1x1024xf32> to vector<1024x1024xf32>
    %max3A_42 = arith.maximumf %max3A_40, %max3A_41 : vector<1024x1024xf32>
    %min3A = vector.broadcast %slice3A_16 : vector<1024x1xf32> to vector<1024x1024xf32>
    %min3A_43 = vector.broadcast %slice3A_20 : vector<1x1024xf32> to vector<1024x1024xf32>
    %min3A_44 = arith.minimumf %min3A, %min3A_43 : vector<1024x1024xf32>
    %min3A_45 = vector.broadcast %slice3A_17 : vector<1024x1xf32> to vector<1024x1024xf32>
    %min3A_46 = vector.broadcast %slice3A_21 : vector<1x1024xf32> to vector<1024x1024xf32>
    %min3A_47 = arith.minimumf %min3A_45, %min3A_46 : vector<1024x1024xf32>
    %sub3A_48 = arith.subf %min3A_44, %max3A_39 : vector<1024x1024xf32>
    %max3A_49 = arith.constant 0.000000e+00 : f32
    %max3A_50 = vector.broadcast %max3A_49 : f32 to vector<1024x1024xf32>
    %max3A_51 = arith.maximumf %sub3A_48, %max3A_50 : vector<1024x1024xf32>
    %sub3A_52 = arith.subf %min3A_47, %max3A_42 : vector<1024x1024xf32>
    %max3A_53 = arith.constant 0.000000e+00 : f32
    %max3A_54 = vector.broadcast %max3A_53 : f32 to vector<1024x1024xf32>
    %max3A_55 = arith.maximumf %sub3A_52, %max3A_54 : vector<1024x1024xf32>
    %mul3A_56 = arith.mulf %max3A_51, %max3A_55 : vector<1024x1024xf32>
    %add3A = vector.broadcast %mul3A : vector<1024x1xf32> to vector<1024x1024xf32>
    %add3A_57 = vector.broadcast %mul3A_36 : vector<1x1024xf32> to vector<1024x1024xf32>
    %add3A_58 = arith.addf %add3A, %add3A_57 : vector<1024x1024xf32>
    %sub3A_59 = arith.subf %add3A_58, %mul3A_56 : vector<1024x1024xf32>
    %div3A = arith.divf %mul3A_56, %sub3A_59 : vector<1024x1024xf32>
    %gt3A_60 = arith.constant 6.000000e-01 : f32
    %gt3A_61 = vector.broadcast %gt3A_60 : f32 to vector<1024x1024xf32>
    %gt3A_62 = arith.cmpf ogt, %div3A, %gt3A_61 : vector<1024x1024xf32>
    %and3A = arith.andi %gt3A_62, %gt3A : vector<1024x1024xi1>
    %convert_element_type3A = arith.extui %and3A : vector<1024x1024xi1> to vector<1024x1024xi32>
    %convert_element_type3A_63 = arith.sitofp %convert_element_type3A : vector<1024x1024xi32> to vector<1024x1024xf32>
    %get3A_64 = arith.constant 0 : index
    %get3A_65 = arith.constant 0 : index
    %get3A_66 = vector.load %arg2[%get3A_64, %get3A_65] : memref<1x5120xf32, #tpu.memory_space<vmem>>, vector<1x1024xf32>
    %while3A = arith.constant 1 : i32
    %while3A_67:2 = scf.while (%while3A_1153 = %get3A_66, %while3A_1154 = %while3A) : (vector<1x1024xf32>, i32) -> (vector<1x1024xf32>, i32) {
      %gt3A_1155 = arith.constant 0 : i32
      %gt3A_1156 = arith.cmpi sgt, %while3A_1154, %gt3A_1155 : i32
      scf.condition(%gt3A_1156) %while3A_1153, %while3A_1154 : vector<1x1024xf32>, i32
    } do {
    ^bb0(%while3A_1153: vector<1x1024xf32>, %while3A_1154: i32):
      %dot_general3A_1155 = arith.constant dense<0.000000e+00> : vector<1x1024xf32>
      %dot_general3A_1156 = tpu.matmul %while3A_1153, %convert_element_type3A_63, %dot_general3A_1155 {dimension_numbers = #tpu.dot_dimension_numbers<[1], [0], [0], [1], [0, 0, 1, 1], [], []>, transpose_lhs_hint = false} : vector<1x1024xf32>, vector<1024x1024xf32>, vector<1x1024xf32> -> vector<1x1024xf32>
      %eq3A_1157 = arith.constant 0.000000e+00 : f32
      %eq3A_1158 = vector.broadcast %eq3A_1157 : f32 to vector<1x1024xf32>
      %eq3A_1159 = arith.cmpf oeq, %dot_general3A_1156, %eq3A_1158 : vector<1x1024xf32>
      %convert_element_type3A_1160 = arith.extui %eq3A_1159 : vector<1x1024xi1> to vector<1x1024xi32>
      %convert_element_type3A_1161 = arith.sitofp %convert_element_type3A_1160 : vector<1x1024xi32> to vector<1x1024xf32>
      %mul3A_1162 = arith.mulf %get3A_66, %convert_element_type3A_1161 : vector<1x1024xf32>
      %ne3A = arith.cmpf one, %mul3A_1162, %while3A_1153 : vector<1x1024xf32>
      %reduce_or3A = arith.constant 1.000000e+00 : f32
      %reduce_or3A_1163 = arith.constant 0.000000e+00 : f32
      %reduce_or3A_1164 = vector.broadcast %reduce_or3A : f32 to vector<1x1024xf32>
      %reduce_or3A_1165 = vector.broadcast %reduce_or3A_1163 : f32 to vector<1x1024xf32>
      %reduce_or3A_1166 = arith.select %ne3A, %reduce_or3A_1164, %reduce_or3A_1165 : vector<1x1024xi1>, vector<1x1024xf32>
      %reduce_or3A_1167 = vector.shape_cast %reduce_or3A_1166 : vector<1x1024xf32> to vector<1x1x1024xf32>
      %reduce_or3A_1168 = arith.constant dense<0xFF800000> : vector<1xf32>
      %reduce_or3A_1169 = vector.multi_reduction <maximumf>, %reduce_or3A_1167, %reduce_or3A_1168 [1, 2] : vector<1x1x1024xf32> to vector<1xf32>
      %reduce_or3A_1170 = vector.shape_cast %reduce_or3A_1169 : vector<1xf32> to vector<1x1x1xf32>
      %reduce_or3A_1171 = vector.extract %reduce_or3A_1170[0, 0, 0] : f32 from vector<1x1x1xf32>
      %reduce_or3A_1172 = arith.constant 0.000000e+00 : f32
      %reduce_or3A_1173 = arith.cmpf ogt, %reduce_or3A_1171, %reduce_or3A_1172 : f32
      %convert_element_type3A_1174 = arith.extui %reduce_or3A_1173 : i1 to i32
      scf.yield %mul3A_1162, %convert_element_type3A_1174 : vector<1x1024xf32>, i32
    }
    %swap3A_68 = arith.constant 0 : index
    %swap3A_69 = arith.constant 0 : index
    %swap3A_70 = vector.load %arg2[%swap3A_68, %swap3A_69] : memref<1x5120xf32, #tpu.memory_space<vmem>>, vector<1x1024xf32>
    tpu.vector_store %arg2[%swap3A_68, %swap3A_69], %while3A_67#0 {strides = array<i32>} : memref<1x5120xf32, #tpu.memory_space<vmem>>, vector<1x1024xf32>,
    %get3A_71 = arith.constant 0 : index
    %get3A_72 = arith.constant 0 : index
    %get3A_73 = vector.load %arg0[%get3A_71, %get3A_72] : memref<5120x16xf32, #tpu.memory_space<vmem>>, vector<1024x16xf32>
    %get3A_74 = arith.constant 0 : index
    %get3A_75 = arith.constant 1024 : index
    %get3A_76 = vector.load %arg3[%get3A_74, %get3A_75] : memref<16x5120xf32, #tpu.memory_space<vmem>>, vector<16x1024xf32>
    %slice3A_77 = vector.extract_strided_slice %get3A_73 {offsets = [0, 0], sizes = [1024, 1], strides = [1, 1]} : vector<1024x16xf32> to vector<1024x1xf32>
    %slice3A_78 = vector.extract_strided_slice %get3A_73 {offsets = [0, 1], sizes = [1024, 1], strides = [1, 1]} : vector<1024x16xf32> to vector<1024x1xf32>
    %slice3A_79 = vector.extract_strided_slice %get3A_73 {offsets = [0, 2], sizes = [1024, 1], strides = [1, 1]} : vector<1024x16xf32> to vector<1024x1xf32>
    %slice3A_80 = vector.extract_strided_slice %get3A_73 {offsets = [0, 3], sizes = [1024, 1], strides = [1, 1]} : vector<1024x16xf32> to vector<1024x1xf32>
    %slice3A_81 = vector.extract_strided_slice %get3A_76 {offsets = [0, 0], sizes = [1, 1024], strides = [1, 1]} : vector<16x1024xf32> to vector<1x1024xf32>
    %slice3A_82 = vector.extract_strided_slice %get3A_76 {offsets = [1, 0], sizes = [1, 1024], strides = [1, 1]} : vector<16x1024xf32> to vector<1x1024xf32>
    %slice3A_83 = vector.extract_strided_slice %get3A_76 {offsets = [2, 0], sizes = [1, 1024], strides = [1, 1]} : vector<16x1024xf32> to vector<1x1024xf32>
    %slice3A_84 = vector.extract_strided_slice %get3A_76 {offsets = [3, 0], sizes = [1, 1024], strides = [1, 1]} : vector<16x1024xf32> to vector<1x1024xf32>
    %sub3A_85 = arith.subf %slice3A_79, %slice3A_77 : vector<1024x1xf32>
    %max3A_86 = arith.constant 0.000000e+00 : f32
    %max3A_87 = vector.broadcast %max3A_86 : f32 to vector<1024x1xf32>
    %max3A_88 = arith.maximumf %sub3A_85, %max3A_87 : vector<1024x1xf32>
    %sub3A_89 = arith.subf %slice3A_80, %slice3A_78 : vector<1024x1xf32>
    %max3A_90 = arith.constant 0.000000e+00 : f32
    %max3A_91 = vector.broadcast %max3A_90 : f32 to vector<1024x1xf32>
    %max3A_92 = arith.maximumf %sub3A_89, %max3A_91 : vector<1024x1xf32>
    %mul3A_93 = arith.mulf %max3A_88, %max3A_92 : vector<1024x1xf32>
    %sub3A_94 = arith.subf %slice3A_83, %slice3A_81 : vector<1x1024xf32>
    %max3A_95 = arith.constant 0.000000e+00 : f32
    %max3A_96 = vector.broadcast %max3A_95 : f32 to vector<1x1024xf32>
    %max3A_97 = arith.maximumf %sub3A_94, %max3A_96 : vector<1x1024xf32>
    %sub3A_98 = arith.subf %slice3A_84, %slice3A_82 : vector<1x1024xf32>
    %max3A_99 = arith.constant 0.000000e+00 : f32
    %max3A_100 = vector.broadcast %max3A_99 : f32 to vector<1x1024xf32>
    %max3A_101 = arith.maximumf %sub3A_98, %max3A_100 : vector<1x1024xf32>
    %mul3A_102 = arith.mulf %max3A_97, %max3A_101 : vector<1x1024xf32>
    %max3A_103 = vector.broadcast %slice3A_77 : vector<1024x1xf32> to vector<1024x1024xf32>
    %max3A_104 = vector.broadcast %slice3A_81 : vector<1x1024xf32> to vector<1024x1024xf32>
    %max3A_105 = arith.maximumf %max3A_103, %max3A_104 : vector<1024x1024xf32>
    %max3A_106 = vector.broadcast %slice3A_78 : vector<1024x1xf32> to vector<1024x1024xf32>
    %max3A_107 = vector.broadcast %slice3A_82 : vector<1x1024xf32> to vector<1024x1024xf32>
    %max3A_108 = arith.maximumf %max3A_106, %max3A_107 : vector<1024x1024xf32>
    %min3A_109 = vector.broadcast %slice3A_79 : vector<1024x1xf32> to vector<1024x1024xf32>
    %min3A_110 = vector.broadcast %slice3A_83 : vector<1x1024xf32> to vector<1024x1024xf32>
    %min3A_111 = arith.minimumf %min3A_109, %min3A_110 : vector<1024x1024xf32>
    %min3A_112 = vector.broadcast %slice3A_80 : vector<1024x1xf32> to vector<1024x1024xf32>
    %min3A_113 = vector.broadcast %slice3A_84 : vector<1x1024xf32> to vector<1024x1024xf32>
    %min3A_114 = arith.minimumf %min3A_112, %min3A_113 : vector<1024x1024xf32>
    %sub3A_115 = arith.subf %min3A_111, %max3A_105 : vector<1024x1024xf32>
    %max3A_116 = arith.constant 0.000000e+00 : f32
    %max3A_117 = vector.broadcast %max3A_116 : f32 to vector<1024x1024xf32>
    %max3A_118 = arith.maximumf %sub3A_115, %max3A_117 : vector<1024x1024xf32>
    %sub3A_119 = arith.subf %min3A_114, %max3A_108 : vector<1024x1024xf32>
    %max3A_120 = arith.constant 0.000000e+00 : f32
    %max3A_121 = vector.broadcast %max3A_120 : f32 to vector<1024x1024xf32>
    %max3A_122 = arith.maximumf %sub3A_119, %max3A_121 : vector<1024x1024xf32>
    %mul3A_123 = arith.mulf %max3A_118, %max3A_122 : vector<1024x1024xf32>
    %add3A_124 = vector.broadcast %mul3A_93 : vector<1024x1xf32> to vector<1024x1024xf32>
    %add3A_125 = vector.broadcast %mul3A_102 : vector<1x1024xf32> to vector<1024x1024xf32>
    %add3A_126 = arith.addf %add3A_124, %add3A_125 : vector<1024x1024xf32>
    %sub3A_127 = arith.subf %add3A_126, %mul3A_123 : vector<1024x1024xf32>
    %div3A_128 = arith.divf %mul3A_123, %sub3A_127 : vector<1024x1024xf32>
    %gt3A_129 = arith.constant 6.000000e-01 : f32
    %gt3A_130 = vector.broadcast %gt3A_129 : f32 to vector<1024x1024xf32>
    %gt3A_131 = arith.cmpf ogt, %div3A_128, %gt3A_130 : vector<1024x1024xf32>
    %convert_element_type3A_132 = arith.extui %gt3A_131 : vector<1024x1024xi1> to vector<1024x1024xi32>
    %convert_element_type3A_133 = arith.sitofp %convert_element_type3A_132 : vector<1024x1024xi32> to vector<1024x1024xf32>
    %dot_general3A = arith.constant dense<0.000000e+00> : vector<1x1024xf32>
    %dot_general3A_134 = tpu.matmul %while3A_67#0, %convert_element_type3A_133, %dot_general3A {dimension_numbers = #tpu.dot_dimension_numbers<[1], [0], [0], [1], [0, 0, 1, 1], [], []>, transpose_lhs_hint = false} : vector<1x1024xf32>, vector<1024x1024xf32>, vector<1x1024xf32> -> vector<1x1024xf32>
    %get3A_135 = arith.constant 0 : index
    %get3A_136 = arith.constant 1024 : index
    %get3A_137 = vector.load %arg2[%get3A_135, %get3A_136] : memref<1x5120xf32, #tpu.memory_space<vmem>>, vector<1x1024xf32>
    %eq3A = arith.constant 0.000000e+00 : f32
    %eq3A_138 = vector.broadcast %eq3A : f32 to vector<1x1024xf32>
    %eq3A_139 = arith.cmpf oeq, %dot_general3A_134, %eq3A_138 : vector<1x1024xf32>
    %convert_element_type3A_140 = arith.extui %eq3A_139 : vector<1x1024xi1> to vector<1x1024xi32>
    %convert_element_type3A_141 = arith.sitofp %convert_element_type3A_140 : vector<1x1024xi32> to vector<1x1024xf32>
    %mul3A_142 = arith.mulf %get3A_137, %convert_element_type3A_141 : vector<1x1024xf32>
    %swap3A_143 = arith.constant 0 : index
    %swap3A_144 = arith.constant 1024 : index
    %swap3A_145 = vector.load %arg2[%swap3A_143, %swap3A_144] : memref<1x5120xf32, #tpu.memory_space<vmem>>, vector<1x1024xf32>
    tpu.vector_store %arg2[%swap3A_143, %swap3A_144], %mul3A_142 {strides = array<i32>} : memref<1x5120xf32, #tpu.memory_space<vmem>>, vector<1x1024xf32>,
    %get3A_146 = arith.constant 0 : index
    %get3A_147 = arith.constant 0 : index
    %get3A_148 = vector.load %arg0[%get3A_146, %get3A_147] : memref<5120x16xf32, #tpu.memory_space<vmem>>, vector<1024x16xf32>
    %get3A_149 = arith.constant 0 : index
    %get3A_150 = arith.constant 2048 : index
    %get3A_151 = vector.load %arg3[%get3A_149, %get3A_150] : memref<16x5120xf32, #tpu.memory_space<vmem>>, vector<16x1024xf32>
    %slice3A_152 = vector.extract_strided_slice %get3A_148 {offsets = [0, 0], sizes = [1024, 1], strides = [1, 1]} : vector<1024x16xf32> to vector<1024x1xf32>
    %slice3A_153 = vector.extract_strided_slice %get3A_148 {offsets = [0, 1], sizes = [1024, 1], strides = [1, 1]} : vector<1024x16xf32> to vector<1024x1xf32>
    %slice3A_154 = vector.extract_strided_slice %get3A_148 {offsets = [0, 2], sizes = [1024, 1], strides = [1, 1]} : vector<1024x16xf32> to vector<1024x1xf32>
    %slice3A_155 = vector.extract_strided_slice %get3A_148 {offsets = [0, 3], sizes = [1024, 1], strides = [1, 1]} : vector<1024x16xf32> to vector<1024x1xf32>
    %slice3A_156 = vector.extract_strided_slice %get3A_151 {offsets = [0, 0], sizes = [1, 1024], strides = [1, 1]} : vector<16x1024xf32> to vector<1x1024xf32>
    %slice3A_157 = vector.extract_strided_slice %get3A_151 {offsets = [1, 0], sizes = [1, 1024], strides = [1, 1]} : vector<16x1024xf32> to vector<1x1024xf32>
    %slice3A_158 = vector.extract_strided_slice %get3A_151 {offsets = [2, 0], sizes = [1, 1024], strides = [1, 1]} : vector<16x1024xf32> to vector<1x1024xf32>
    %slice3A_159 = vector.extract_strided_slice %get3A_151 {offsets = [3, 0], sizes = [1, 1024], strides = [1, 1]} : vector<16x1024xf32> to vector<1x1024xf32>
    %sub3A_160 = arith.subf %slice3A_154, %slice3A_152 : vector<1024x1xf32>
    %max3A_161 = arith.constant 0.000000e+00 : f32
    %max3A_162 = vector.broadcast %max3A_161 : f32 to vector<1024x1xf32>
    %max3A_163 = arith.maximumf %sub3A_160, %max3A_162 : vector<1024x1xf32>
    %sub3A_164 = arith.subf %slice3A_155, %slice3A_153 : vector<1024x1xf32>
    %max3A_165 = arith.constant 0.000000e+00 : f32
    %max3A_166 = vector.broadcast %max3A_165 : f32 to vector<1024x1xf32>
    %max3A_167 = arith.maximumf %sub3A_164, %max3A_166 : vector<1024x1xf32>
    %mul3A_168 = arith.mulf %max3A_163, %max3A_167 : vector<1024x1xf32>
    %sub3A_169 = arith.subf %slice3A_158, %slice3A_156 : vector<1x1024xf32>
    %max3A_170 = arith.constant 0.000000e+00 : f32
    %max3A_171 = vector.broadcast %max3A_170 : f32 to vector<1x1024xf32>
    %max3A_172 = arith.maximumf %sub3A_169, %max3A_171 : vector<1x1024xf32>
    %sub3A_173 = arith.subf %slice3A_159, %slice3A_157 : vector<1x1024xf32>
    %max3A_174 = arith.constant 0.000000e+00 : f32
    %max3A_175 = vector.broadcast %max3A_174 : f32 to vector<1x1024xf32>
    %max3A_176 = arith.maximumf %sub3A_173, %max3A_175 : vector<1x1024xf32>
    %mul3A_177 = arith.mulf %max3A_172, %max3A_176 : vector<1x1024xf32>
    %max3A_178 = vector.broadcast %slice3A_152 : vector<1024x1xf32> to vector<1024x1024xf32>
    %max3A_179 = vector.broadcast %slice3A_156 : vector<1x1024xf32> to vector<1024x1024xf32>
    %max3A_180 = arith.maximumf %max3A_178, %max3A_179 : vector<1024x1024xf32>
    %max3A_181 = vector.broadcast %slice3A_153 : vector<1024x1xf32> to vector<1024x1024xf32>
    %max3A_182 = vector.broadcast %slice3A_157 : vector<1x1024xf32> to vector<1024x1024xf32>
    %max3A_183 = arith.maximumf %max3A_181, %max3A_182 : vector<1024x1024xf32>
    %min3A_184 = vector.broadcast %slice3A_154 : vector<1024x1xf32> to vector<1024x1024xf32>
    %min3A_185 = vector.broadcast %slice3A_158 : vector<1x1024xf32> to vector<1024x1024xf32>
    %min3A_186 = arith.minimumf %min3A_184, %min3A_185 : vector<1024x1024xf32>
    %min3A_187 = vector.broadcast %slice3A_155 : vector<1024x1xf32> to vector<1024x1024xf32>
    %min3A_188 = vector.broadcast %slice3A_159 : vector<1x1024xf32> to vector<1024x1024xf32>
    %min3A_189 = arith.minimumf %min3A_187, %min3A_188 : vector<1024x1024xf32>
    %sub3A_190 = arith.subf %min3A_186, %max3A_180 : vector<1024x1024xf32>
    %max3A_191 = arith.constant 0.000000e+00 : f32
    %max3A_192 = vector.broadcast %max3A_191 : f32 to vector<1024x1024xf32>
    %max3A_193 = arith.maximumf %sub3A_190, %max3A_192 : vector<1024x1024xf32>
    %sub3A_194 = arith.subf %min3A_189, %max3A_183 : vector<1024x1024xf32>
    %max3A_195 = arith.constant 0.000000e+00 : f32
    %max3A_196 = vector.broadcast %max3A_195 : f32 to vector<1024x1024xf32>
    %max3A_197 = arith.maximumf %sub3A_194, %max3A_196 : vector<1024x1024xf32>
    %mul3A_198 = arith.mulf %max3A_193, %max3A_197 : vector<1024x1024xf32>
    %add3A_199 = vector.broadcast %mul3A_168 : vector<1024x1xf32> to vector<1024x1024xf32>
    %add3A_200 = vector.broadcast %mul3A_177 : vector<1x1024xf32> to vector<1024x1024xf32>
    %add3A_201 = arith.addf %add3A_199, %add3A_200 : vector<1024x1024xf32>
    %sub3A_202 = arith.subf %add3A_201, %mul3A_198 : vector<1024x1024xf32>
    %div3A_203 = arith.divf %mul3A_198, %sub3A_202 : vector<1024x1024xf32>
    %gt3A_204 = arith.constant 6.000000e-01 : f32
    %gt3A_205 = vector.broadcast %gt3A_204 : f32 to vector<1024x1024xf32>
    %gt3A_206 = arith.cmpf ogt, %div3A_203, %gt3A_205 : vector<1024x1024xf32>
    %convert_element_type3A_207 = arith.extui %gt3A_206 : vector<1024x1024xi1> to vector<1024x1024xi32>
    %convert_element_type3A_208 = arith.sitofp %convert_element_type3A_207 : vector<1024x1024xi32> to vector<1024x1024xf32>
    %dot_general3A_209 = arith.constant dense<0.000000e+00> : vector<1x1024xf32>
    %dot_general3A_210 = tpu.matmul %while3A_67#0, %convert_element_type3A_208, %dot_general3A_209 {dimension_numbers = #tpu.dot_dimension_numbers<[1], [0], [0], [1], [0, 0, 1, 1], [], []>, transpose_lhs_hint = false} : vector<1x1024xf32>, vector<1024x1024xf32>, vector<1x1024xf32> -> vector<1x1024xf32>
    %get3A_211 = arith.constant 0 : index
    %get3A_212 = arith.constant 2048 : index
    %get3A_213 = vector.load %arg2[%get3A_211, %get3A_212] : memref<1x5120xf32, #tpu.memory_space<vmem>>, vector<1x1024xf32>
    %eq3A_214 = arith.constant 0.000000e+00 : f32
    %eq3A_215 = vector.broadcast %eq3A_214 : f32 to vector<1x1024xf32>
    %eq3A_216 = arith.cmpf oeq, %dot_general3A_210, %eq3A_215 : vector<1x1024xf32>
    %convert_element_type3A_217 = arith.extui %eq3A_216 : vector<1x1024xi1> to vector<1x1024xi32>
    %convert_element_type3A_218 = arith.sitofp %convert_element_type3A_217 : vector<1x1024xi32> to vector<1x1024xf32>
    %mul3A_219 = arith.mulf %get3A_213, %convert_element_type3A_218 : vector<1x1024xf32>
    %swap3A_220 = arith.constant 0 : index
    %swap3A_221 = arith.constant 2048 : index
    %swap3A_222 = vector.load %arg2[%swap3A_220, %swap3A_221] : memref<1x5120xf32, #tpu.memory_space<vmem>>, vector<1x1024xf32>
    tpu.vector_store %arg2[%swap3A_220, %swap3A_221], %mul3A_219 {strides = array<i32>} : memref<1x5120xf32, #tpu.memory_space<vmem>>, vector<1x1024xf32>,
    %get3A_223 = arith.constant 0 : index
    %get3A_224 = arith.constant 0 : index
    %get3A_225 = vector.load %arg0[%get3A_223, %get3A_224] : memref<5120x16xf32, #tpu.memory_space<vmem>>, vector<1024x16xf32>
    %get3A_226 = arith.constant 0 : index
    %get3A_227 = arith.constant 3072 : index
    %get3A_228 = vector.load %arg3[%get3A_226, %get3A_227] : memref<16x5120xf32, #tpu.memory_space<vmem>>, vector<16x1024xf32>
    %slice3A_229 = vector.extract_strided_slice %get3A_225 {offsets = [0, 0], sizes = [1024, 1], strides = [1, 1]} : vector<1024x16xf32> to vector<1024x1xf32>
    %slice3A_230 = vector.extract_strided_slice %get3A_225 {offsets = [0, 1], sizes = [1024, 1], strides = [1, 1]} : vector<1024x16xf32> to vector<1024x1xf32>
    %slice3A_231 = vector.extract_strided_slice %get3A_225 {offsets = [0, 2], sizes = [1024, 1], strides = [1, 1]} : vector<1024x16xf32> to vector<1024x1xf32>
    %slice3A_232 = vector.extract_strided_slice %get3A_225 {offsets = [0, 3], sizes = [1024, 1], strides = [1, 1]} : vector<1024x16xf32> to vector<1024x1xf32>
    %slice3A_233 = vector.extract_strided_slice %get3A_228 {offsets = [0, 0], sizes = [1, 1024], strides = [1, 1]} : vector<16x1024xf32> to vector<1x1024xf32>
    %slice3A_234 = vector.extract_strided_slice %get3A_228 {offsets = [1, 0], sizes = [1, 1024], strides = [1, 1]} : vector<16x1024xf32> to vector<1x1024xf32>
    %slice3A_235 = vector.extract_strided_slice %get3A_228 {offsets = [2, 0], sizes = [1, 1024], strides = [1, 1]} : vector<16x1024xf32> to vector<1x1024xf32>
    %slice3A_236 = vector.extract_strided_slice %get3A_228 {offsets = [3, 0], sizes = [1, 1024], strides = [1, 1]} : vector<16x1024xf32> to vector<1x1024xf32>
    %sub3A_237 = arith.subf %slice3A_231, %slice3A_229 : vector<1024x1xf32>
    %max3A_238 = arith.constant 0.000000e+00 : f32
    %max3A_239 = vector.broadcast %max3A_238 : f32 to vector<1024x1xf32>
    %max3A_240 = arith.maximumf %sub3A_237, %max3A_239 : vector<1024x1xf32>
    %sub3A_241 = arith.subf %slice3A_232, %slice3A_230 : vector<1024x1xf32>
    %max3A_242 = arith.constant 0.000000e+00 : f32
    %max3A_243 = vector.broadcast %max3A_242 : f32 to vector<1024x1xf32>
    %max3A_244 = arith.maximumf %sub3A_241, %max3A_243 : vector<1024x1xf32>
    %mul3A_245 = arith.mulf %max3A_240, %max3A_244 : vector<1024x1xf32>
    %sub3A_246 = arith.subf %slice3A_235, %slice3A_233 : vector<1x1024xf32>
    %max3A_247 = arith.constant 0.000000e+00 : f32
    %max3A_248 = vector.broadcast %max3A_247 : f32 to vector<1x1024xf32>
    %max3A_249 = arith.maximumf %sub3A_246, %max3A_248 : vector<1x1024xf32>
    %sub3A_250 = arith.subf %slice3A_236, %slice3A_234 : vector<1x1024xf32>
    %max3A_251 = arith.constant 0.000000e+00 : f32
    %max3A_252 = vector.broadcast %max3A_251 : f32 to vector<1x1024xf32>
    %max3A_253 = arith.maximumf %sub3A_250, %max3A_252 : vector<1x1024xf32>
    %mul3A_254 = arith.mulf %max3A_249, %max3A_253 : vector<1x1024xf32>
    %max3A_255 = vector.broadcast %slice3A_229 : vector<1024x1xf32> to vector<1024x1024xf32>
    %max3A_256 = vector.broadcast %slice3A_233 : vector<1x1024xf32> to vector<1024x1024xf32>
    %max3A_257 = arith.maximumf %max3A_255, %max3A_256 : vector<1024x1024xf32>
    %max3A_258 = vector.broadcast %slice3A_230 : vector<1024x1xf32> to vector<1024x1024xf32>
    %max3A_259 = vector.broadcast %slice3A_234 : vector<1x1024xf32> to vector<1024x1024xf32>
    %max3A_260 = arith.maximumf %max3A_258, %max3A_259 : vector<1024x1024xf32>
    %min3A_261 = vector.broadcast %slice3A_231 : vector<1024x1xf32> to vector<1024x1024xf32>
    %min3A_262 = vector.broadcast %slice3A_235 : vector<1x1024xf32> to vector<1024x1024xf32>
    %min3A_263 = arith.minimumf %min3A_261, %min3A_262 : vector<1024x1024xf32>
    %min3A_264 = vector.broadcast %slice3A_232 : vector<1024x1xf32> to vector<1024x1024xf32>
    %min3A_265 = vector.broadcast %slice3A_236 : vector<1x1024xf32> to vector<1024x1024xf32>
    %min3A_266 = arith.minimumf %min3A_264, %min3A_265 : vector<1024x1024xf32>
    %sub3A_267 = arith.subf %min3A_263, %max3A_257 : vector<1024x1024xf32>
    %max3A_268 = arith.constant 0.000000e+00 : f32
    %max3A_269 = vector.broadcast %max3A_268 : f32 to vector<1024x1024xf32>
    %max3A_270 = arith.maximumf %sub3A_267, %max3A_269 : vector<1024x1024xf32>
    %sub3A_271 = arith.subf %min3A_266, %max3A_260 : vector<1024x1024xf32>
    %max3A_272 = arith.constant 0.000000e+00 : f32
    %max3A_273 = vector.broadcast %max3A_272 : f32 to vector<1024x1024xf32>
    %max3A_274 = arith.maximumf %sub3A_271, %max3A_273 : vector<1024x1024xf32>
    %mul3A_275 = arith.mulf %max3A_270, %max3A_274 : vector<1024x1024xf32>
    %add3A_276 = vector.broadcast %mul3A_245 : vector<1024x1xf32> to vector<1024x1024xf32>
    %add3A_277 = vector.broadcast %mul3A_254 : vector<1x1024xf32> to vector<1024x1024xf32>
    %add3A_278 = arith.addf %add3A_276, %add3A_277 : vector<1024x1024xf32>
    %sub3A_279 = arith.subf %add3A_278, %mul3A_275 : vector<1024x1024xf32>
    %div3A_280 = arith.divf %mul3A_275, %sub3A_279 : vector<1024x1024xf32>
    %gt3A_281 = arith.constant 6.000000e-01 : f32
    %gt3A_282 = vector.broadcast %gt3A_281 : f32 to vector<1024x1024xf32>
    %gt3A_283 = arith.cmpf ogt, %div3A_280, %gt3A_282 : vector<1024x1024xf32>
    %convert_element_type3A_284 = arith.extui %gt3A_283 : vector<1024x1024xi1> to vector<1024x1024xi32>
    %convert_element_type3A_285 = arith.sitofp %convert_element_type3A_284 : vector<1024x1024xi32> to vector<1024x1024xf32>
    %dot_general3A_286 = arith.constant dense<0.000000e+00> : vector<1x1024xf32>
    %dot_general3A_287 = tpu.matmul %while3A_67#0, %convert_element_type3A_285, %dot_general3A_286 {dimension_numbers = #tpu.dot_dimension_numbers<[1], [0], [0], [1], [0, 0, 1, 1], [], []>, transpose_lhs_hint = false} : vector<1x1024xf32>, vector<1024x1024xf32>, vector<1x1024xf32> -> vector<1x1024xf32>
    %get3A_288 = arith.constant 0 : index
    %get3A_289 = arith.constant 3072 : index
    %get3A_290 = vector.load %arg2[%get3A_288, %get3A_289] : memref<1x5120xf32, #tpu.memory_space<vmem>>, vector<1x1024xf32>
    %eq3A_291 = arith.constant 0.000000e+00 : f32
    %eq3A_292 = vector.broadcast %eq3A_291 : f32 to vector<1x1024xf32>
    %eq3A_293 = arith.cmpf oeq, %dot_general3A_287, %eq3A_292 : vector<1x1024xf32>
    %convert_element_type3A_294 = arith.extui %eq3A_293 : vector<1x1024xi1> to vector<1x1024xi32>
    %convert_element_type3A_295 = arith.sitofp %convert_element_type3A_294 : vector<1x1024xi32> to vector<1x1024xf32>
    %mul3A_296 = arith.mulf %get3A_290, %convert_element_type3A_295 : vector<1x1024xf32>
    %swap3A_297 = arith.constant 0 : index
    %swap3A_298 = arith.constant 3072 : index
    %swap3A_299 = vector.load %arg2[%swap3A_297, %swap3A_298] : memref<1x5120xf32, #tpu.memory_space<vmem>>, vector<1x1024xf32>
    tpu.vector_store %arg2[%swap3A_297, %swap3A_298], %mul3A_296 {strides = array<i32>} : memref<1x5120xf32, #tpu.memory_space<vmem>>, vector<1x1024xf32>,
    %get3A_300 = arith.constant 0 : index
    %get3A_301 = arith.constant 0 : index
    %get3A_302 = vector.load %arg0[%get3A_300, %get3A_301] : memref<5120x16xf32, #tpu.memory_space<vmem>>, vector<1024x16xf32>
    %get3A_303 = arith.constant 0 : index
    %get3A_304 = arith.constant 4096 : index
    %get3A_305 = vector.load %arg3[%get3A_303, %get3A_304] : memref<16x5120xf32, #tpu.memory_space<vmem>>, vector<16x1024xf32>
    %slice3A_306 = vector.extract_strided_slice %get3A_302 {offsets = [0, 0], sizes = [1024, 1], strides = [1, 1]} : vector<1024x16xf32> to vector<1024x1xf32>
    %slice3A_307 = vector.extract_strided_slice %get3A_302 {offsets = [0, 1], sizes = [1024, 1], strides = [1, 1]} : vector<1024x16xf32> to vector<1024x1xf32>
    %slice3A_308 = vector.extract_strided_slice %get3A_302 {offsets = [0, 2], sizes = [1024, 1], strides = [1, 1]} : vector<1024x16xf32> to vector<1024x1xf32>
    %slice3A_309 = vector.extract_strided_slice %get3A_302 {offsets = [0, 3], sizes = [1024, 1], strides = [1, 1]} : vector<1024x16xf32> to vector<1024x1xf32>
    %slice3A_310 = vector.extract_strided_slice %get3A_305 {offsets = [0, 0], sizes = [1, 1024], strides = [1, 1]} : vector<16x1024xf32> to vector<1x1024xf32>
    %slice3A_311 = vector.extract_strided_slice %get3A_305 {offsets = [1, 0], sizes = [1, 1024], strides = [1, 1]} : vector<16x1024xf32> to vector<1x1024xf32>
    %slice3A_312 = vector.extract_strided_slice %get3A_305 {offsets = [2, 0], sizes = [1, 1024], strides = [1, 1]} : vector<16x1024xf32> to vector<1x1024xf32>
    %slice3A_313 = vector.extract_strided_slice %get3A_305 {offsets = [3, 0], sizes = [1, 1024], strides = [1, 1]} : vector<16x1024xf32> to vector<1x1024xf32>
    %sub3A_314 = arith.subf %slice3A_308, %slice3A_306 : vector<1024x1xf32>
    %max3A_315 = arith.constant 0.000000e+00 : f32
    %max3A_316 = vector.broadcast %max3A_315 : f32 to vector<1024x1xf32>
    %max3A_317 = arith.maximumf %sub3A_314, %max3A_316 : vector<1024x1xf32>
    %sub3A_318 = arith.subf %slice3A_309, %slice3A_307 : vector<1024x1xf32>
    %max3A_319 = arith.constant 0.000000e+00 : f32
    %max3A_320 = vector.broadcast %max3A_319 : f32 to vector<1024x1xf32>
    %max3A_321 = arith.maximumf %sub3A_318, %max3A_320 : vector<1024x1xf32>
    %mul3A_322 = arith.mulf %max3A_317, %max3A_321 : vector<1024x1xf32>
    %sub3A_323 = arith.subf %slice3A_312, %slice3A_310 : vector<1x1024xf32>
    %max3A_324 = arith.constant 0.000000e+00 : f32
    %max3A_325 = vector.broadcast %max3A_324 : f32 to vector<1x1024xf32>
    %max3A_326 = arith.maximumf %sub3A_323, %max3A_325 : vector<1x1024xf32>
    %sub3A_327 = arith.subf %slice3A_313, %slice3A_311 : vector<1x1024xf32>
    %max3A_328 = arith.constant 0.000000e+00 : f32
    %max3A_329 = vector.broadcast %max3A_328 : f32 to vector<1x1024xf32>
    %max3A_330 = arith.maximumf %sub3A_327, %max3A_329 : vector<1x1024xf32>
    %mul3A_331 = arith.mulf %max3A_326, %max3A_330 : vector<1x1024xf32>
    %max3A_332 = vector.broadcast %slice3A_306 : vector<1024x1xf32> to vector<1024x1024xf32>
    %max3A_333 = vector.broadcast %slice3A_310 : vector<1x1024xf32> to vector<1024x1024xf32>
    %max3A_334 = arith.maximumf %max3A_332, %max3A_333 : vector<1024x1024xf32>
    %max3A_335 = vector.broadcast %slice3A_307 : vector<1024x1xf32> to vector<1024x1024xf32>
    %max3A_336 = vector.broadcast %slice3A_311 : vector<1x1024xf32> to vector<1024x1024xf32>
    %max3A_337 = arith.maximumf %max3A_335, %max3A_336 : vector<1024x1024xf32>
    %min3A_338 = vector.broadcast %slice3A_308 : vector<1024x1xf32> to vector<1024x1024xf32>
    %min3A_339 = vector.broadcast %slice3A_312 : vector<1x1024xf32> to vector<1024x1024xf32>
    %min3A_340 = arith.minimumf %min3A_338, %min3A_339 : vector<1024x1024xf32>
    %min3A_341 = vector.broadcast %slice3A_309 : vector<1024x1xf32> to vector<1024x1024xf32>
    %min3A_342 = vector.broadcast %slice3A_313 : vector<1x1024xf32> to vector<1024x1024xf32>
    %min3A_343 = arith.minimumf %min3A_341, %min3A_342 : vector<1024x1024xf32>
    %sub3A_344 = arith.subf %min3A_340, %max3A_334 : vector<1024x1024xf32>
    %max3A_345 = arith.constant 0.000000e+00 : f32
    %max3A_346 = vector.broadcast %max3A_345 : f32 to vector<1024x1024xf32>
    %max3A_347 = arith.maximumf %sub3A_344, %max3A_346 : vector<1024x1024xf32>
    %sub3A_348 = arith.subf %min3A_343, %max3A_337 : vector<1024x1024xf32>
    %max3A_349 = arith.constant 0.000000e+00 : f32
    %max3A_350 = vector.broadcast %max3A_349 : f32 to vector<1024x1024xf32>
    %max3A_351 = arith.maximumf %sub3A_348, %max3A_350 : vector<1024x1024xf32>
    %mul3A_352 = arith.mulf %max3A_347, %max3A_351 : vector<1024x1024xf32>
    %add3A_353 = vector.broadcast %mul3A_322 : vector<1024x1xf32> to vector<1024x1024xf32>
    %add3A_354 = vector.broadcast %mul3A_331 : vector<1x1024xf32> to vector<1024x1024xf32>
    %add3A_355 = arith.addf %add3A_353, %add3A_354 : vector<1024x1024xf32>
    %sub3A_356 = arith.subf %add3A_355, %mul3A_352 : vector<1024x1024xf32>
    %div3A_357 = arith.divf %mul3A_352, %sub3A_356 : vector<1024x1024xf32>
    %gt3A_358 = arith.constant 6.000000e-01 : f32
    %gt3A_359 = vector.broadcast %gt3A_358 : f32 to vector<1024x1024xf32>
    %gt3A_360 = arith.cmpf ogt, %div3A_357, %gt3A_359 : vector<1024x1024xf32>
    %convert_element_type3A_361 = arith.extui %gt3A_360 : vector<1024x1024xi1> to vector<1024x1024xi32>
    %convert_element_type3A_362 = arith.sitofp %convert_element_type3A_361 : vector<1024x1024xi32> to vector<1024x1024xf32>
    %dot_general3A_363 = arith.constant dense<0.000000e+00> : vector<1x1024xf32>
    %dot_general3A_364 = tpu.matmul %while3A_67#0, %convert_element_type3A_362, %dot_general3A_363 {dimension_numbers = #tpu.dot_dimension_numbers<[1], [0], [0], [1], [0, 0, 1, 1], [], []>, transpose_lhs_hint = false} : vector<1x1024xf32>, vector<1024x1024xf32>, vector<1x1024xf32> -> vector<1x1024xf32>
    %get3A_365 = arith.constant 0 : index
    %get3A_366 = arith.constant 4096 : index
    %get3A_367 = vector.load %arg2[%get3A_365, %get3A_366] : memref<1x5120xf32, #tpu.memory_space<vmem>>, vector<1x1024xf32>
    %eq3A_368 = arith.constant 0.000000e+00 : f32
    %eq3A_369 = vector.broadcast %eq3A_368 : f32 to vector<1x1024xf32>
    %eq3A_370 = arith.cmpf oeq, %dot_general3A_364, %eq3A_369 : vector<1x1024xf32>
    %convert_element_type3A_371 = arith.extui %eq3A_370 : vector<1x1024xi1> to vector<1x1024xi32>
    %convert_element_type3A_372 = arith.sitofp %convert_element_type3A_371 : vector<1x1024xi32> to vector<1x1024xf32>
    %mul3A_373 = arith.mulf %get3A_367, %convert_element_type3A_372 : vector<1x1024xf32>
    %swap3A_374 = arith.constant 0 : index
    %swap3A_375 = arith.constant 4096 : index
    %swap3A_376 = vector.load %arg2[%swap3A_374, %swap3A_375] : memref<1x5120xf32, #tpu.memory_space<vmem>>, vector<1x1024xf32>
    tpu.vector_store %arg2[%swap3A_374, %swap3A_375], %mul3A_373 {strides = array<i32>} : memref<1x5120xf32, #tpu.memory_space<vmem>>, vector<1x1024xf32>,
    %get3A_377 = arith.constant 1024 : index
    %get3A_378 = arith.constant 0 : index
    %get3A_379 = vector.load %arg0[%get3A_377, %get3A_378] : memref<5120x16xf32, #tpu.memory_space<vmem>>, vector<1024x16xf32>
    %get3A_380 = arith.constant 0 : index
    %get3A_381 = arith.constant 1024 : index
    %get3A_382 = vector.load %arg3[%get3A_380, %get3A_381] : memref<16x5120xf32, #tpu.memory_space<vmem>>, vector<16x1024xf32>
    %slice3A_383 = vector.extract_strided_slice %get3A_379 {offsets = [0, 0], sizes = [1024, 1], strides = [1, 1]} : vector<1024x16xf32> to vector<1024x1xf32>
    %slice3A_384 = vector.extract_strided_slice %get3A_379 {offsets = [0, 1], sizes = [1024, 1], strides = [1, 1]} : vector<1024x16xf32> to vector<1024x1xf32>
    %slice3A_385 = vector.extract_strided_slice %get3A_379 {offsets = [0, 2], sizes = [1024, 1], strides = [1, 1]} : vector<1024x16xf32> to vector<1024x1xf32>
    %slice3A_386 = vector.extract_strided_slice %get3A_379 {offsets = [0, 3], sizes = [1024, 1], strides = [1, 1]} : vector<1024x16xf32> to vector<1024x1xf32>
    %slice3A_387 = vector.extract_strided_slice %get3A_382 {offsets = [0, 0], sizes = [1, 1024], strides = [1, 1]} : vector<16x1024xf32> to vector<1x1024xf32>
    %slice3A_388 = vector.extract_strided_slice %get3A_382 {offsets = [1, 0], sizes = [1, 1024], strides = [1, 1]} : vector<16x1024xf32> to vector<1x1024xf32>
    %slice3A_389 = vector.extract_strided_slice %get3A_382 {offsets = [2, 0], sizes = [1, 1024], strides = [1, 1]} : vector<16x1024xf32> to vector<1x1024xf32>
    %slice3A_390 = vector.extract_strided_slice %get3A_382 {offsets = [3, 0], sizes = [1, 1024], strides = [1, 1]} : vector<16x1024xf32> to vector<1x1024xf32>
    %sub3A_391 = arith.subf %slice3A_385, %slice3A_383 : vector<1024x1xf32>
    %max3A_392 = arith.constant 0.000000e+00 : f32
    %max3A_393 = vector.broadcast %max3A_392 : f32 to vector<1024x1xf32>
    %max3A_394 = arith.maximumf %sub3A_391, %max3A_393 : vector<1024x1xf32>
    %sub3A_395 = arith.subf %slice3A_386, %slice3A_384 : vector<1024x1xf32>
    %max3A_396 = arith.constant 0.000000e+00 : f32
    %max3A_397 = vector.broadcast %max3A_396 : f32 to vector<1024x1xf32>
    %max3A_398 = arith.maximumf %sub3A_395, %max3A_397 : vector<1024x1xf32>
    %mul3A_399 = arith.mulf %max3A_394, %max3A_398 : vector<1024x1xf32>
    %sub3A_400 = arith.subf %slice3A_389, %slice3A_387 : vector<1x1024xf32>
    %max3A_401 = arith.constant 0.000000e+00 : f32
    %max3A_402 = vector.broadcast %max3A_401 : f32 to vector<1x1024xf32>
    %max3A_403 = arith.maximumf %sub3A_400, %max3A_402 : vector<1x1024xf32>
    %sub3A_404 = arith.subf %slice3A_390, %slice3A_388 : vector<1x1024xf32>
    %max3A_405 = arith.constant 0.000000e+00 : f32
    %max3A_406 = vector.broadcast %max3A_405 : f32 to vector<1x1024xf32>
    %max3A_407 = arith.maximumf %sub3A_404, %max3A_406 : vector<1x1024xf32>
    %mul3A_408 = arith.mulf %max3A_403, %max3A_407 : vector<1x1024xf32>
    %max3A_409 = vector.broadcast %slice3A_383 : vector<1024x1xf32> to vector<1024x1024xf32>
    %max3A_410 = vector.broadcast %slice3A_387 : vector<1x1024xf32> to vector<1024x1024xf32>
    %max3A_411 = arith.maximumf %max3A_409, %max3A_410 : vector<1024x1024xf32>
    %max3A_412 = vector.broadcast %slice3A_384 : vector<1024x1xf32> to vector<1024x1024xf32>
    %max3A_413 = vector.broadcast %slice3A_388 : vector<1x1024xf32> to vector<1024x1024xf32>
    %max3A_414 = arith.maximumf %max3A_412, %max3A_413 : vector<1024x1024xf32>
    %min3A_415 = vector.broadcast %slice3A_385 : vector<1024x1xf32> to vector<1024x1024xf32>
    %min3A_416 = vector.broadcast %slice3A_389 : vector<1x1024xf32> to vector<1024x1024xf32>
    %min3A_417 = arith.minimumf %min3A_415, %min3A_416 : vector<1024x1024xf32>
    %min3A_418 = vector.broadcast %slice3A_386 : vector<1024x1xf32> to vector<1024x1024xf32>
    %min3A_419 = vector.broadcast %slice3A_390 : vector<1x1024xf32> to vector<1024x1024xf32>
    %min3A_420 = arith.minimumf %min3A_418, %min3A_419 : vector<1024x1024xf32>
    %sub3A_421 = arith.subf %min3A_417, %max3A_411 : vector<1024x1024xf32>
    %max3A_422 = arith.constant 0.000000e+00 : f32
    %max3A_423 = vector.broadcast %max3A_422 : f32 to vector<1024x1024xf32>
    %max3A_424 = arith.maximumf %sub3A_421, %max3A_423 : vector<1024x1024xf32>
    %sub3A_425 = arith.subf %min3A_420, %max3A_414 : vector<1024x1024xf32>
    %max3A_426 = arith.constant 0.000000e+00 : f32
    %max3A_427 = vector.broadcast %max3A_426 : f32 to vector<1024x1024xf32>
    %max3A_428 = arith.maximumf %sub3A_425, %max3A_427 : vector<1024x1024xf32>
    %mul3A_429 = arith.mulf %max3A_424, %max3A_428 : vector<1024x1024xf32>
    %add3A_430 = vector.broadcast %mul3A_399 : vector<1024x1xf32> to vector<1024x1024xf32>
    %add3A_431 = vector.broadcast %mul3A_408 : vector<1x1024xf32> to vector<1024x1024xf32>
    %add3A_432 = arith.addf %add3A_430, %add3A_431 : vector<1024x1024xf32>
    %sub3A_433 = arith.subf %add3A_432, %mul3A_429 : vector<1024x1024xf32>
    %div3A_434 = arith.divf %mul3A_429, %sub3A_433 : vector<1024x1024xf32>
    %gt3A_435 = arith.constant 6.000000e-01 : f32
    %gt3A_436 = vector.broadcast %gt3A_435 : f32 to vector<1024x1024xf32>
    %gt3A_437 = arith.cmpf ogt, %div3A_434, %gt3A_436 : vector<1024x1024xf32>
    %and3A_438 = arith.andi %gt3A_437, %gt3A : vector<1024x1024xi1>
    %convert_element_type3A_439 = arith.extui %and3A_438 : vector<1024x1024xi1> to vector<1024x1024xi32>
    %convert_element_type3A_440 = arith.sitofp %convert_element_type3A_439 : vector<1024x1024xi32> to vector<1024x1024xf32>
    %get3A_441 = arith.constant 0 : index
    %get3A_442 = arith.constant 1024 : index
    %get3A_443 = vector.load %arg2[%get3A_441, %get3A_442] : memref<1x5120xf32, #tpu.memory_space<vmem>>, vector<1x1024xf32>
    %while3A_444 = arith.constant 1 : i32
    %while3A_445:2 = scf.while (%while3A_1153 = %get3A_443, %while3A_1154 = %while3A_444) : (vector<1x1024xf32>, i32) -> (vector<1x1024xf32>, i32) {
      %gt3A_1155 = arith.constant 0 : i32
      %gt3A_1156 = arith.cmpi sgt, %while3A_1154, %gt3A_1155 : i32
      scf.condition(%gt3A_1156) %while3A_1153, %while3A_1154 : vector<1x1024xf32>, i32
    } do {
    ^bb0(%while3A_1153: vector<1x1024xf32>, %while3A_1154: i32):
      %dot_general3A_1155 = arith.constant dense<0.000000e+00> : vector<1x1024xf32>
      %dot_general3A_1156 = tpu.matmul %while3A_1153, %convert_element_type3A_440, %dot_general3A_1155 {dimension_numbers = #tpu.dot_dimension_numbers<[1], [0], [0], [1], [0, 0, 1, 1], [], []>, transpose_lhs_hint = false} : vector<1x1024xf32>, vector<1024x1024xf32>, vector<1x1024xf32> -> vector<1x1024xf32>
      %eq3A_1157 = arith.constant 0.000000e+00 : f32
      %eq3A_1158 = vector.broadcast %eq3A_1157 : f32 to vector<1x1024xf32>
      %eq3A_1159 = arith.cmpf oeq, %dot_general3A_1156, %eq3A_1158 : vector<1x1024xf32>
      %convert_element_type3A_1160 = arith.extui %eq3A_1159 : vector<1x1024xi1> to vector<1x1024xi32>
      %convert_element_type3A_1161 = arith.sitofp %convert_element_type3A_1160 : vector<1x1024xi32> to vector<1x1024xf32>
      %mul3A_1162 = arith.mulf %get3A_443, %convert_element_type3A_1161 : vector<1x1024xf32>
      %ne3A = arith.cmpf one, %mul3A_1162, %while3A_1153 : vector<1x1024xf32>
      %reduce_or3A = arith.constant 1.000000e+00 : f32
      %reduce_or3A_1163 = arith.constant 0.000000e+00 : f32
      %reduce_or3A_1164 = vector.broadcast %reduce_or3A : f32 to vector<1x1024xf32>
      %reduce_or3A_1165 = vector.broadcast %reduce_or3A_1163 : f32 to vector<1x1024xf32>
      %reduce_or3A_1166 = arith.select %ne3A, %reduce_or3A_1164, %reduce_or3A_1165 : vector<1x1024xi1>, vector<1x1024xf32>
      %reduce_or3A_1167 = vector.shape_cast %reduce_or3A_1166 : vector<1x1024xf32> to vector<1x1x1024xf32>
      %reduce_or3A_1168 = arith.constant dense<0xFF800000> : vector<1xf32>
      %reduce_or3A_1169 = vector.multi_reduction <maximumf>, %reduce_or3A_1167, %reduce_or3A_1168 [1, 2] : vector<1x1x1024xf32> to vector<1xf32>
      %reduce_or3A_1170 = vector.shape_cast %reduce_or3A_1169 : vector<1xf32> to vector<1x1x1xf32>
      %reduce_or3A_1171 = vector.extract %reduce_or3A_1170[0, 0, 0] : f32 from vector<1x1x1xf32>
      %reduce_or3A_1172 = arith.constant 0.000000e+00 : f32
      %reduce_or3A_1173 = arith.cmpf ogt, %reduce_or3A_1171, %reduce_or3A_1172 : f32
      %convert_element_type3A_1174 = arith.extui %reduce_or3A_1173 : i1 to i32
      scf.yield %mul3A_1162, %convert_element_type3A_1174 : vector<1x1024xf32>, i32
    }
    %swap3A_446 = arith.constant 0 : index
    %swap3A_447 = arith.constant 1024 : index
    %swap3A_448 = vector.load %arg2[%swap3A_446, %swap3A_447] : memref<1x5120xf32, #tpu.memory_space<vmem>>, vector<1x1024xf32>
    tpu.vector_store %arg2[%swap3A_446, %swap3A_447], %while3A_445#0 {strides = array<i32>} : memref<1x5120xf32, #tpu.memory_space<vmem>>, vector<1x1024xf32>,
    %get3A_449 = arith.constant 1024 : index
    %get3A_450 = arith.constant 0 : index
    %get3A_451 = vector.load %arg0[%get3A_449, %get3A_450] : memref<5120x16xf32, #tpu.memory_space<vmem>>, vector<1024x16xf32>
    %get3A_452 = arith.constant 0 : index
    %get3A_453 = arith.constant 2048 : index
    %get3A_454 = vector.load %arg3[%get3A_452, %get3A_453] : memref<16x5120xf32, #tpu.memory_space<vmem>>, vector<16x1024xf32>
    %slice3A_455 = vector.extract_strided_slice %get3A_451 {offsets = [0, 0], sizes = [1024, 1], strides = [1, 1]} : vector<1024x16xf32> to vector<1024x1xf32>
    %slice3A_456 = vector.extract_strided_slice %get3A_451 {offsets = [0, 1], sizes = [1024, 1], strides = [1, 1]} : vector<1024x16xf32> to vector<1024x1xf32>
    %slice3A_457 = vector.extract_strided_slice %get3A_451 {offsets = [0, 2], sizes = [1024, 1], strides = [1, 1]} : vector<1024x16xf32> to vector<1024x1xf32>
    %slice3A_458 = vector.extract_strided_slice %get3A_451 {offsets = [0, 3], sizes = [1024, 1], strides = [1, 1]} : vector<1024x16xf32> to vector<1024x1xf32>
    %slice3A_459 = vector.extract_strided_slice %get3A_454 {offsets = [0, 0], sizes = [1, 1024], strides = [1, 1]} : vector<16x1024xf32> to vector<1x1024xf32>
    %slice3A_460 = vector.extract_strided_slice %get3A_454 {offsets = [1, 0], sizes = [1, 1024], strides = [1, 1]} : vector<16x1024xf32> to vector<1x1024xf32>
    %slice3A_461 = vector.extract_strided_slice %get3A_454 {offsets = [2, 0], sizes = [1, 1024], strides = [1, 1]} : vector<16x1024xf32> to vector<1x1024xf32>
    %slice3A_462 = vector.extract_strided_slice %get3A_454 {offsets = [3, 0], sizes = [1, 1024], strides = [1, 1]} : vector<16x1024xf32> to vector<1x1024xf32>
    %sub3A_463 = arith.subf %slice3A_457, %slice3A_455 : vector<1024x1xf32>
    %max3A_464 = arith.constant 0.000000e+00 : f32
    %max3A_465 = vector.broadcast %max3A_464 : f32 to vector<1024x1xf32>
    %max3A_466 = arith.maximumf %sub3A_463, %max3A_465 : vector<1024x1xf32>
    %sub3A_467 = arith.subf %slice3A_458, %slice3A_456 : vector<1024x1xf32>
    %max3A_468 = arith.constant 0.000000e+00 : f32
    %max3A_469 = vector.broadcast %max3A_468 : f32 to vector<1024x1xf32>
    %max3A_470 = arith.maximumf %sub3A_467, %max3A_469 : vector<1024x1xf32>
    %mul3A_471 = arith.mulf %max3A_466, %max3A_470 : vector<1024x1xf32>
    %sub3A_472 = arith.subf %slice3A_461, %slice3A_459 : vector<1x1024xf32>
    %max3A_473 = arith.constant 0.000000e+00 : f32
    %max3A_474 = vector.broadcast %max3A_473 : f32 to vector<1x1024xf32>
    %max3A_475 = arith.maximumf %sub3A_472, %max3A_474 : vector<1x1024xf32>
    %sub3A_476 = arith.subf %slice3A_462, %slice3A_460 : vector<1x1024xf32>
    %max3A_477 = arith.constant 0.000000e+00 : f32
    %max3A_478 = vector.broadcast %max3A_477 : f32 to vector<1x1024xf32>
    %max3A_479 = arith.maximumf %sub3A_476, %max3A_478 : vector<1x1024xf32>
    %mul3A_480 = arith.mulf %max3A_475, %max3A_479 : vector<1x1024xf32>
    %max3A_481 = vector.broadcast %slice3A_455 : vector<1024x1xf32> to vector<1024x1024xf32>
    %max3A_482 = vector.broadcast %slice3A_459 : vector<1x1024xf32> to vector<1024x1024xf32>
    %max3A_483 = arith.maximumf %max3A_481, %max3A_482 : vector<1024x1024xf32>
    %max3A_484 = vector.broadcast %slice3A_456 : vector<1024x1xf32> to vector<1024x1024xf32>
    %max3A_485 = vector.broadcast %slice3A_460 : vector<1x1024xf32> to vector<1024x1024xf32>
    %max3A_486 = arith.maximumf %max3A_484, %max3A_485 : vector<1024x1024xf32>
    %min3A_487 = vector.broadcast %slice3A_457 : vector<1024x1xf32> to vector<1024x1024xf32>
    %min3A_488 = vector.broadcast %slice3A_461 : vector<1x1024xf32> to vector<1024x1024xf32>
    %min3A_489 = arith.minimumf %min3A_487, %min3A_488 : vector<1024x1024xf32>
    %min3A_490 = vector.broadcast %slice3A_458 : vector<1024x1xf32> to vector<1024x1024xf32>
    %min3A_491 = vector.broadcast %slice3A_462 : vector<1x1024xf32> to vector<1024x1024xf32>
    %min3A_492 = arith.minimumf %min3A_490, %min3A_491 : vector<1024x1024xf32>
    %sub3A_493 = arith.subf %min3A_489, %max3A_483 : vector<1024x1024xf32>
    %max3A_494 = arith.constant 0.000000e+00 : f32
    %max3A_495 = vector.broadcast %max3A_494 : f32 to vector<1024x1024xf32>
    %max3A_496 = arith.maximumf %sub3A_493, %max3A_495 : vector<1024x1024xf32>
    %sub3A_497 = arith.subf %min3A_492, %max3A_486 : vector<1024x1024xf32>
    %max3A_498 = arith.constant 0.000000e+00 : f32
    %max3A_499 = vector.broadcast %max3A_498 : f32 to vector<1024x1024xf32>
    %max3A_500 = arith.maximumf %sub3A_497, %max3A_499 : vector<1024x1024xf32>
    %mul3A_501 = arith.mulf %max3A_496, %max3A_500 : vector<1024x1024xf32>
    %add3A_502 = vector.broadcast %mul3A_471 : vector<1024x1xf32> to vector<1024x1024xf32>
    %add3A_503 = vector.broadcast %mul3A_480 : vector<1x1024xf32> to vector<1024x1024xf32>
    %add3A_504 = arith.addf %add3A_502, %add3A_503 : vector<1024x1024xf32>
    %sub3A_505 = arith.subf %add3A_504, %mul3A_501 : vector<1024x1024xf32>
    %div3A_506 = arith.divf %mul3A_501, %sub3A_505 : vector<1024x1024xf32>
    %gt3A_507 = arith.constant 6.000000e-01 : f32
    %gt3A_508 = vector.broadcast %gt3A_507 : f32 to vector<1024x1024xf32>
    %gt3A_509 = arith.cmpf ogt, %div3A_506, %gt3A_508 : vector<1024x1024xf32>
    %convert_element_type3A_510 = arith.extui %gt3A_509 : vector<1024x1024xi1> to vector<1024x1024xi32>
    %convert_element_type3A_511 = arith.sitofp %convert_element_type3A_510 : vector<1024x1024xi32> to vector<1024x1024xf32>
    %dot_general3A_512 = arith.constant dense<0.000000e+00> : vector<1x1024xf32>
    %dot_general3A_513 = tpu.matmul %while3A_445#0, %convert_element_type3A_511, %dot_general3A_512 {dimension_numbers = #tpu.dot_dimension_numbers<[1], [0], [0], [1], [0, 0, 1, 1], [], []>, transpose_lhs_hint = false} : vector<1x1024xf32>, vector<1024x1024xf32>, vector<1x1024xf32> -> vector<1x1024xf32>
    %get3A_514 = arith.constant 0 : index
    %get3A_515 = arith.constant 2048 : index
    %get3A_516 = vector.load %arg2[%get3A_514, %get3A_515] : memref<1x5120xf32, #tpu.memory_space<vmem>>, vector<1x1024xf32>
    %eq3A_517 = arith.constant 0.000000e+00 : f32
    %eq3A_518 = vector.broadcast %eq3A_517 : f32 to vector<1x1024xf32>
    %eq3A_519 = arith.cmpf oeq, %dot_general3A_513, %eq3A_518 : vector<1x1024xf32>
    %convert_element_type3A_520 = arith.extui %eq3A_519 : vector<1x1024xi1> to vector<1x1024xi32>
    %convert_element_type3A_521 = arith.sitofp %convert_element_type3A_520 : vector<1x1024xi32> to vector<1x1024xf32>
    %mul3A_522 = arith.mulf %get3A_516, %convert_element_type3A_521 : vector<1x1024xf32>
    %swap3A_523 = arith.constant 0 : index
    %swap3A_524 = arith.constant 2048 : index
    %swap3A_525 = vector.load %arg2[%swap3A_523, %swap3A_524] : memref<1x5120xf32, #tpu.memory_space<vmem>>, vector<1x1024xf32>
    tpu.vector_store %arg2[%swap3A_523, %swap3A_524], %mul3A_522 {strides = array<i32>} : memref<1x5120xf32, #tpu.memory_space<vmem>>, vector<1x1024xf32>,
    %get3A_526 = arith.constant 1024 : index
    %get3A_527 = arith.constant 0 : index
    %get3A_528 = vector.load %arg0[%get3A_526, %get3A_527] : memref<5120x16xf32, #tpu.memory_space<vmem>>, vector<1024x16xf32>
    %get3A_529 = arith.constant 0 : index
    %get3A_530 = arith.constant 3072 : index
    %get3A_531 = vector.load %arg3[%get3A_529, %get3A_530] : memref<16x5120xf32, #tpu.memory_space<vmem>>, vector<16x1024xf32>
    %slice3A_532 = vector.extract_strided_slice %get3A_528 {offsets = [0, 0], sizes = [1024, 1], strides = [1, 1]} : vector<1024x16xf32> to vector<1024x1xf32>
    %slice3A_533 = vector.extract_strided_slice %get3A_528 {offsets = [0, 1], sizes = [1024, 1], strides = [1, 1]} : vector<1024x16xf32> to vector<1024x1xf32>
    %slice3A_534 = vector.extract_strided_slice %get3A_528 {offsets = [0, 2], sizes = [1024, 1], strides = [1, 1]} : vector<1024x16xf32> to vector<1024x1xf32>
    %slice3A_535 = vector.extract_strided_slice %get3A_528 {offsets = [0, 3], sizes = [1024, 1], strides = [1, 1]} : vector<1024x16xf32> to vector<1024x1xf32>
    %slice3A_536 = vector.extract_strided_slice %get3A_531 {offsets = [0, 0], sizes = [1, 1024], strides = [1, 1]} : vector<16x1024xf32> to vector<1x1024xf32>
    %slice3A_537 = vector.extract_strided_slice %get3A_531 {offsets = [1, 0], sizes = [1, 1024], strides = [1, 1]} : vector<16x1024xf32> to vector<1x1024xf32>
    %slice3A_538 = vector.extract_strided_slice %get3A_531 {offsets = [2, 0], sizes = [1, 1024], strides = [1, 1]} : vector<16x1024xf32> to vector<1x1024xf32>
    %slice3A_539 = vector.extract_strided_slice %get3A_531 {offsets = [3, 0], sizes = [1, 1024], strides = [1, 1]} : vector<16x1024xf32> to vector<1x1024xf32>
    %sub3A_540 = arith.subf %slice3A_534, %slice3A_532 : vector<1024x1xf32>
    %max3A_541 = arith.constant 0.000000e+00 : f32
    %max3A_542 = vector.broadcast %max3A_541 : f32 to vector<1024x1xf32>
    %max3A_543 = arith.maximumf %sub3A_540, %max3A_542 : vector<1024x1xf32>
    %sub3A_544 = arith.subf %slice3A_535, %slice3A_533 : vector<1024x1xf32>
    %max3A_545 = arith.constant 0.000000e+00 : f32
    %max3A_546 = vector.broadcast %max3A_545 : f32 to vector<1024x1xf32>
    %max3A_547 = arith.maximumf %sub3A_544, %max3A_546 : vector<1024x1xf32>
    %mul3A_548 = arith.mulf %max3A_543, %max3A_547 : vector<1024x1xf32>
    %sub3A_549 = arith.subf %slice3A_538, %slice3A_536 : vector<1x1024xf32>
    %max3A_550 = arith.constant 0.000000e+00 : f32
    %max3A_551 = vector.broadcast %max3A_550 : f32 to vector<1x1024xf32>
    %max3A_552 = arith.maximumf %sub3A_549, %max3A_551 : vector<1x1024xf32>
    %sub3A_553 = arith.subf %slice3A_539, %slice3A_537 : vector<1x1024xf32>
    %max3A_554 = arith.constant 0.000000e+00 : f32
    %max3A_555 = vector.broadcast %max3A_554 : f32 to vector<1x1024xf32>
    %max3A_556 = arith.maximumf %sub3A_553, %max3A_555 : vector<1x1024xf32>
    %mul3A_557 = arith.mulf %max3A_552, %max3A_556 : vector<1x1024xf32>
    %max3A_558 = vector.broadcast %slice3A_532 : vector<1024x1xf32> to vector<1024x1024xf32>
    %max3A_559 = vector.broadcast %slice3A_536 : vector<1x1024xf32> to vector<1024x1024xf32>
    %max3A_560 = arith.maximumf %max3A_558, %max3A_559 : vector<1024x1024xf32>
    %max3A_561 = vector.broadcast %slice3A_533 : vector<1024x1xf32> to vector<1024x1024xf32>
    %max3A_562 = vector.broadcast %slice3A_537 : vector<1x1024xf32> to vector<1024x1024xf32>
    %max3A_563 = arith.maximumf %max3A_561, %max3A_562 : vector<1024x1024xf32>
    %min3A_564 = vector.broadcast %slice3A_534 : vector<1024x1xf32> to vector<1024x1024xf32>
    %min3A_565 = vector.broadcast %slice3A_538 : vector<1x1024xf32> to vector<1024x1024xf32>
    %min3A_566 = arith.minimumf %min3A_564, %min3A_565 : vector<1024x1024xf32>
    %min3A_567 = vector.broadcast %slice3A_535 : vector<1024x1xf32> to vector<1024x1024xf32>
    %min3A_568 = vector.broadcast %slice3A_539 : vector<1x1024xf32> to vector<1024x1024xf32>
    %min3A_569 = arith.minimumf %min3A_567, %min3A_568 : vector<1024x1024xf32>
    %sub3A_570 = arith.subf %min3A_566, %max3A_560 : vector<1024x1024xf32>
    %max3A_571 = arith.constant 0.000000e+00 : f32
    %max3A_572 = vector.broadcast %max3A_571 : f32 to vector<1024x1024xf32>
    %max3A_573 = arith.maximumf %sub3A_570, %max3A_572 : vector<1024x1024xf32>
    %sub3A_574 = arith.subf %min3A_569, %max3A_563 : vector<1024x1024xf32>
    %max3A_575 = arith.constant 0.000000e+00 : f32
    %max3A_576 = vector.broadcast %max3A_575 : f32 to vector<1024x1024xf32>
    %max3A_577 = arith.maximumf %sub3A_574, %max3A_576 : vector<1024x1024xf32>
    %mul3A_578 = arith.mulf %max3A_573, %max3A_577 : vector<1024x1024xf32>
    %add3A_579 = vector.broadcast %mul3A_548 : vector<1024x1xf32> to vector<1024x1024xf32>
    %add3A_580 = vector.broadcast %mul3A_557 : vector<1x1024xf32> to vector<1024x1024xf32>
    %add3A_581 = arith.addf %add3A_579, %add3A_580 : vector<1024x1024xf32>
    %sub3A_582 = arith.subf %add3A_581, %mul3A_578 : vector<1024x1024xf32>
    %div3A_583 = arith.divf %mul3A_578, %sub3A_582 : vector<1024x1024xf32>
    %gt3A_584 = arith.constant 6.000000e-01 : f32
    %gt3A_585 = vector.broadcast %gt3A_584 : f32 to vector<1024x1024xf32>
    %gt3A_586 = arith.cmpf ogt, %div3A_583, %gt3A_585 : vector<1024x1024xf32>
    %convert_element_type3A_587 = arith.extui %gt3A_586 : vector<1024x1024xi1> to vector<1024x1024xi32>
    %convert_element_type3A_588 = arith.sitofp %convert_element_type3A_587 : vector<1024x1024xi32> to vector<1024x1024xf32>
    %dot_general3A_589 = arith.constant dense<0.000000e+00> : vector<1x1024xf32>
    %dot_general3A_590 = tpu.matmul %while3A_445#0, %convert_element_type3A_588, %dot_general3A_589 {dimension_numbers = #tpu.dot_dimension_numbers<[1], [0], [0], [1], [0, 0, 1, 1], [], []>, transpose_lhs_hint = false} : vector<1x1024xf32>, vector<1024x1024xf32>, vector<1x1024xf32> -> vector<1x1024xf32>
    %get3A_591 = arith.constant 0 : index
    %get3A_592 = arith.constant 3072 : index
    %get3A_593 = vector.load %arg2[%get3A_591, %get3A_592] : memref<1x5120xf32, #tpu.memory_space<vmem>>, vector<1x1024xf32>
    %eq3A_594 = arith.constant 0.000000e+00 : f32
    %eq3A_595 = vector.broadcast %eq3A_594 : f32 to vector<1x1024xf32>
    %eq3A_596 = arith.cmpf oeq, %dot_general3A_590, %eq3A_595 : vector<1x1024xf32>
    %convert_element_type3A_597 = arith.extui %eq3A_596 : vector<1x1024xi1> to vector<1x1024xi32>
    %convert_element_type3A_598 = arith.sitofp %convert_element_type3A_597 : vector<1x1024xi32> to vector<1x1024xf32>
    %mul3A_599 = arith.mulf %get3A_593, %convert_element_type3A_598 : vector<1x1024xf32>
    %swap3A_600 = arith.constant 0 : index
    %swap3A_601 = arith.constant 3072 : index
    %swap3A_602 = vector.load %arg2[%swap3A_600, %swap3A_601] : memref<1x5120xf32, #tpu.memory_space<vmem>>, vector<1x1024xf32>
    tpu.vector_store %arg2[%swap3A_600, %swap3A_601], %mul3A_599 {strides = array<i32>} : memref<1x5120xf32, #tpu.memory_space<vmem>>, vector<1x1024xf32>,
    %get3A_603 = arith.constant 1024 : index
    %get3A_604 = arith.constant 0 : index
    %get3A_605 = vector.load %arg0[%get3A_603, %get3A_604] : memref<5120x16xf32, #tpu.memory_space<vmem>>, vector<1024x16xf32>
    %get3A_606 = arith.constant 0 : index
    %get3A_607 = arith.constant 4096 : index
    %get3A_608 = vector.load %arg3[%get3A_606, %get3A_607] : memref<16x5120xf32, #tpu.memory_space<vmem>>, vector<16x1024xf32>
    %slice3A_609 = vector.extract_strided_slice %get3A_605 {offsets = [0, 0], sizes = [1024, 1], strides = [1, 1]} : vector<1024x16xf32> to vector<1024x1xf32>
    %slice3A_610 = vector.extract_strided_slice %get3A_605 {offsets = [0, 1], sizes = [1024, 1], strides = [1, 1]} : vector<1024x16xf32> to vector<1024x1xf32>
    %slice3A_611 = vector.extract_strided_slice %get3A_605 {offsets = [0, 2], sizes = [1024, 1], strides = [1, 1]} : vector<1024x16xf32> to vector<1024x1xf32>
    %slice3A_612 = vector.extract_strided_slice %get3A_605 {offsets = [0, 3], sizes = [1024, 1], strides = [1, 1]} : vector<1024x16xf32> to vector<1024x1xf32>
    %slice3A_613 = vector.extract_strided_slice %get3A_608 {offsets = [0, 0], sizes = [1, 1024], strides = [1, 1]} : vector<16x1024xf32> to vector<1x1024xf32>
    %slice3A_614 = vector.extract_strided_slice %get3A_608 {offsets = [1, 0], sizes = [1, 1024], strides = [1, 1]} : vector<16x1024xf32> to vector<1x1024xf32>
    %slice3A_615 = vector.extract_strided_slice %get3A_608 {offsets = [2, 0], sizes = [1, 1024], strides = [1, 1]} : vector<16x1024xf32> to vector<1x1024xf32>
    %slice3A_616 = vector.extract_strided_slice %get3A_608 {offsets = [3, 0], sizes = [1, 1024], strides = [1, 1]} : vector<16x1024xf32> to vector<1x1024xf32>
    %sub3A_617 = arith.subf %slice3A_611, %slice3A_609 : vector<1024x1xf32>
    %max3A_618 = arith.constant 0.000000e+00 : f32
    %max3A_619 = vector.broadcast %max3A_618 : f32 to vector<1024x1xf32>
    %max3A_620 = arith.maximumf %sub3A_617, %max3A_619 : vector<1024x1xf32>
    %sub3A_621 = arith.subf %slice3A_612, %slice3A_610 : vector<1024x1xf32>
    %max3A_622 = arith.constant 0.000000e+00 : f32
    %max3A_623 = vector.broadcast %max3A_622 : f32 to vector<1024x1xf32>
    %max3A_624 = arith.maximumf %sub3A_621, %max3A_623 : vector<1024x1xf32>
    %mul3A_625 = arith.mulf %max3A_620, %max3A_624 : vector<1024x1xf32>
    %sub3A_626 = arith.subf %slice3A_615, %slice3A_613 : vector<1x1024xf32>
    %max3A_627 = arith.constant 0.000000e+00 : f32
    %max3A_628 = vector.broadcast %max3A_627 : f32 to vector<1x1024xf32>
    %max3A_629 = arith.maximumf %sub3A_626, %max3A_628 : vector<1x1024xf32>
    %sub3A_630 = arith.subf %slice3A_616, %slice3A_614 : vector<1x1024xf32>
    %max3A_631 = arith.constant 0.000000e+00 : f32
    %max3A_632 = vector.broadcast %max3A_631 : f32 to vector<1x1024xf32>
    %max3A_633 = arith.maximumf %sub3A_630, %max3A_632 : vector<1x1024xf32>
    %mul3A_634 = arith.mulf %max3A_629, %max3A_633 : vector<1x1024xf32>
    %max3A_635 = vector.broadcast %slice3A_609 : vector<1024x1xf32> to vector<1024x1024xf32>
    %max3A_636 = vector.broadcast %slice3A_613 : vector<1x1024xf32> to vector<1024x1024xf32>
    %max3A_637 = arith.maximumf %max3A_635, %max3A_636 : vector<1024x1024xf32>
    %max3A_638 = vector.broadcast %slice3A_610 : vector<1024x1xf32> to vector<1024x1024xf32>
    %max3A_639 = vector.broadcast %slice3A_614 : vector<1x1024xf32> to vector<1024x1024xf32>
    %max3A_640 = arith.maximumf %max3A_638, %max3A_639 : vector<1024x1024xf32>
    %min3A_641 = vector.broadcast %slice3A_611 : vector<1024x1xf32> to vector<1024x1024xf32>
    %min3A_642 = vector.broadcast %slice3A_615 : vector<1x1024xf32> to vector<1024x1024xf32>
    %min3A_643 = arith.minimumf %min3A_641, %min3A_642 : vector<1024x1024xf32>
    %min3A_644 = vector.broadcast %slice3A_612 : vector<1024x1xf32> to vector<1024x1024xf32>
    %min3A_645 = vector.broadcast %slice3A_616 : vector<1x1024xf32> to vector<1024x1024xf32>
    %min3A_646 = arith.minimumf %min3A_644, %min3A_645 : vector<1024x1024xf32>
    %sub3A_647 = arith.subf %min3A_643, %max3A_637 : vector<1024x1024xf32>
    %max3A_648 = arith.constant 0.000000e+00 : f32
    %max3A_649 = vector.broadcast %max3A_648 : f32 to vector<1024x1024xf32>
    %max3A_650 = arith.maximumf %sub3A_647, %max3A_649 : vector<1024x1024xf32>
    %sub3A_651 = arith.subf %min3A_646, %max3A_640 : vector<1024x1024xf32>
    %max3A_652 = arith.constant 0.000000e+00 : f32
    %max3A_653 = vector.broadcast %max3A_652 : f32 to vector<1024x1024xf32>
    %max3A_654 = arith.maximumf %sub3A_651, %max3A_653 : vector<1024x1024xf32>
    %mul3A_655 = arith.mulf %max3A_650, %max3A_654 : vector<1024x1024xf32>
    %add3A_656 = vector.broadcast %mul3A_625 : vector<1024x1xf32> to vector<1024x1024xf32>
    %add3A_657 = vector.broadcast %mul3A_634 : vector<1x1024xf32> to vector<1024x1024xf32>
    %add3A_658 = arith.addf %add3A_656, %add3A_657 : vector<1024x1024xf32>
    %sub3A_659 = arith.subf %add3A_658, %mul3A_655 : vector<1024x1024xf32>
    %div3A_660 = arith.divf %mul3A_655, %sub3A_659 : vector<1024x1024xf32>
    %gt3A_661 = arith.constant 6.000000e-01 : f32
    %gt3A_662 = vector.broadcast %gt3A_661 : f32 to vector<1024x1024xf32>
    %gt3A_663 = arith.cmpf ogt, %div3A_660, %gt3A_662 : vector<1024x1024xf32>
    %convert_element_type3A_664 = arith.extui %gt3A_663 : vector<1024x1024xi1> to vector<1024x1024xi32>
    %convert_element_type3A_665 = arith.sitofp %convert_element_type3A_664 : vector<1024x1024xi32> to vector<1024x1024xf32>
    %dot_general3A_666 = arith.constant dense<0.000000e+00> : vector<1x1024xf32>
    %dot_general3A_667 = tpu.matmul %while3A_445#0, %convert_element_type3A_665, %dot_general3A_666 {dimension_numbers = #tpu.dot_dimension_numbers<[1], [0], [0], [1], [0, 0, 1, 1], [], []>, transpose_lhs_hint = false} : vector<1x1024xf32>, vector<1024x1024xf32>, vector<1x1024xf32> -> vector<1x1024xf32>
    %get3A_668 = arith.constant 0 : index
    %get3A_669 = arith.constant 4096 : index
    %get3A_670 = vector.load %arg2[%get3A_668, %get3A_669] : memref<1x5120xf32, #tpu.memory_space<vmem>>, vector<1x1024xf32>
    %eq3A_671 = arith.constant 0.000000e+00 : f32
    %eq3A_672 = vector.broadcast %eq3A_671 : f32 to vector<1x1024xf32>
    %eq3A_673 = arith.cmpf oeq, %dot_general3A_667, %eq3A_672 : vector<1x1024xf32>
    %convert_element_type3A_674 = arith.extui %eq3A_673 : vector<1x1024xi1> to vector<1x1024xi32>
    %convert_element_type3A_675 = arith.sitofp %convert_element_type3A_674 : vector<1x1024xi32> to vector<1x1024xf32>
    %mul3A_676 = arith.mulf %get3A_670, %convert_element_type3A_675 : vector<1x1024xf32>
    %swap3A_677 = arith.constant 0 : index
    %swap3A_678 = arith.constant 4096 : index
    %swap3A_679 = vector.load %arg2[%swap3A_677, %swap3A_678] : memref<1x5120xf32, #tpu.memory_space<vmem>>, vector<1x1024xf32>
    tpu.vector_store %arg2[%swap3A_677, %swap3A_678], %mul3A_676 {strides = array<i32>} : memref<1x5120xf32, #tpu.memory_space<vmem>>, vector<1x1024xf32>,
    %get3A_680 = arith.constant 2048 : index
    %get3A_681 = arith.constant 0 : index
    %get3A_682 = vector.load %arg0[%get3A_680, %get3A_681] : memref<5120x16xf32, #tpu.memory_space<vmem>>, vector<1024x16xf32>
    %get3A_683 = arith.constant 0 : index
    %get3A_684 = arith.constant 2048 : index
    %get3A_685 = vector.load %arg3[%get3A_683, %get3A_684] : memref<16x5120xf32, #tpu.memory_space<vmem>>, vector<16x1024xf32>
    %slice3A_686 = vector.extract_strided_slice %get3A_682 {offsets = [0, 0], sizes = [1024, 1], strides = [1, 1]} : vector<1024x16xf32> to vector<1024x1xf32>
    %slice3A_687 = vector.extract_strided_slice %get3A_682 {offsets = [0, 1], sizes = [1024, 1], strides = [1, 1]} : vector<1024x16xf32> to vector<1024x1xf32>
    %slice3A_688 = vector.extract_strided_slice %get3A_682 {offsets = [0, 2], sizes = [1024, 1], strides = [1, 1]} : vector<1024x16xf32> to vector<1024x1xf32>
    %slice3A_689 = vector.extract_strided_slice %get3A_682 {offsets = [0, 3], sizes = [1024, 1], strides = [1, 1]} : vector<1024x16xf32> to vector<1024x1xf32>
    %slice3A_690 = vector.extract_strided_slice %get3A_685 {offsets = [0, 0], sizes = [1, 1024], strides = [1, 1]} : vector<16x1024xf32> to vector<1x1024xf32>
    %slice3A_691 = vector.extract_strided_slice %get3A_685 {offsets = [1, 0], sizes = [1, 1024], strides = [1, 1]} : vector<16x1024xf32> to vector<1x1024xf32>
    %slice3A_692 = vector.extract_strided_slice %get3A_685 {offsets = [2, 0], sizes = [1, 1024], strides = [1, 1]} : vector<16x1024xf32> to vector<1x1024xf32>
    %slice3A_693 = vector.extract_strided_slice %get3A_685 {offsets = [3, 0], sizes = [1, 1024], strides = [1, 1]} : vector<16x1024xf32> to vector<1x1024xf32>
    %sub3A_694 = arith.subf %slice3A_688, %slice3A_686 : vector<1024x1xf32>
    %max3A_695 = arith.constant 0.000000e+00 : f32
    %max3A_696 = vector.broadcast %max3A_695 : f32 to vector<1024x1xf32>
    %max3A_697 = arith.maximumf %sub3A_694, %max3A_696 : vector<1024x1xf32>
    %sub3A_698 = arith.subf %slice3A_689, %slice3A_687 : vector<1024x1xf32>
    %max3A_699 = arith.constant 0.000000e+00 : f32
    %max3A_700 = vector.broadcast %max3A_699 : f32 to vector<1024x1xf32>
    %max3A_701 = arith.maximumf %sub3A_698, %max3A_700 : vector<1024x1xf32>
    %mul3A_702 = arith.mulf %max3A_697, %max3A_701 : vector<1024x1xf32>
    %sub3A_703 = arith.subf %slice3A_692, %slice3A_690 : vector<1x1024xf32>
    %max3A_704 = arith.constant 0.000000e+00 : f32
    %max3A_705 = vector.broadcast %max3A_704 : f32 to vector<1x1024xf32>
    %max3A_706 = arith.maximumf %sub3A_703, %max3A_705 : vector<1x1024xf32>
    %sub3A_707 = arith.subf %slice3A_693, %slice3A_691 : vector<1x1024xf32>
    %max3A_708 = arith.constant 0.000000e+00 : f32
    %max3A_709 = vector.broadcast %max3A_708 : f32 to vector<1x1024xf32>
    %max3A_710 = arith.maximumf %sub3A_707, %max3A_709 : vector<1x1024xf32>
    %mul3A_711 = arith.mulf %max3A_706, %max3A_710 : vector<1x1024xf32>
    %max3A_712 = vector.broadcast %slice3A_686 : vector<1024x1xf32> to vector<1024x1024xf32>
    %max3A_713 = vector.broadcast %slice3A_690 : vector<1x1024xf32> to vector<1024x1024xf32>
    %max3A_714 = arith.maximumf %max3A_712, %max3A_713 : vector<1024x1024xf32>
    %max3A_715 = vector.broadcast %slice3A_687 : vector<1024x1xf32> to vector<1024x1024xf32>
    %max3A_716 = vector.broadcast %slice3A_691 : vector<1x1024xf32> to vector<1024x1024xf32>
    %max3A_717 = arith.maximumf %max3A_715, %max3A_716 : vector<1024x1024xf32>
    %min3A_718 = vector.broadcast %slice3A_688 : vector<1024x1xf32> to vector<1024x1024xf32>
    %min3A_719 = vector.broadcast %slice3A_692 : vector<1x1024xf32> to vector<1024x1024xf32>
    %min3A_720 = arith.minimumf %min3A_718, %min3A_719 : vector<1024x1024xf32>
    %min3A_721 = vector.broadcast %slice3A_689 : vector<1024x1xf32> to vector<1024x1024xf32>
    %min3A_722 = vector.broadcast %slice3A_693 : vector<1x1024xf32> to vector<1024x1024xf32>
    %min3A_723 = arith.minimumf %min3A_721, %min3A_722 : vector<1024x1024xf32>
    %sub3A_724 = arith.subf %min3A_720, %max3A_714 : vector<1024x1024xf32>
    %max3A_725 = arith.constant 0.000000e+00 : f32
    %max3A_726 = vector.broadcast %max3A_725 : f32 to vector<1024x1024xf32>
    %max3A_727 = arith.maximumf %sub3A_724, %max3A_726 : vector<1024x1024xf32>
    %sub3A_728 = arith.subf %min3A_723, %max3A_717 : vector<1024x1024xf32>
    %max3A_729 = arith.constant 0.000000e+00 : f32
    %max3A_730 = vector.broadcast %max3A_729 : f32 to vector<1024x1024xf32>
    %max3A_731 = arith.maximumf %sub3A_728, %max3A_730 : vector<1024x1024xf32>
    %mul3A_732 = arith.mulf %max3A_727, %max3A_731 : vector<1024x1024xf32>
    %add3A_733 = vector.broadcast %mul3A_702 : vector<1024x1xf32> to vector<1024x1024xf32>
    %add3A_734 = vector.broadcast %mul3A_711 : vector<1x1024xf32> to vector<1024x1024xf32>
    %add3A_735 = arith.addf %add3A_733, %add3A_734 : vector<1024x1024xf32>
    %sub3A_736 = arith.subf %add3A_735, %mul3A_732 : vector<1024x1024xf32>
    %div3A_737 = arith.divf %mul3A_732, %sub3A_736 : vector<1024x1024xf32>
    %gt3A_738 = arith.constant 6.000000e-01 : f32
    %gt3A_739 = vector.broadcast %gt3A_738 : f32 to vector<1024x1024xf32>
    %gt3A_740 = arith.cmpf ogt, %div3A_737, %gt3A_739 : vector<1024x1024xf32>
    %and3A_741 = arith.andi %gt3A_740, %gt3A : vector<1024x1024xi1>
    %convert_element_type3A_742 = arith.extui %and3A_741 : vector<1024x1024xi1> to vector<1024x1024xi32>
    %convert_element_type3A_743 = arith.sitofp %convert_element_type3A_742 : vector<1024x1024xi32> to vector<1024x1024xf32>
    %get3A_744 = arith.constant 0 : index
    %get3A_745 = arith.constant 2048 : index
    %get3A_746 = vector.load %arg2[%get3A_744, %get3A_745] : memref<1x5120xf32, #tpu.memory_space<vmem>>, vector<1x1024xf32>
    %while3A_747 = arith.constant 1 : i32
    %while3A_748:2 = scf.while (%while3A_1153 = %get3A_746, %while3A_1154 = %while3A_747) : (vector<1x1024xf32>, i32) -> (vector<1x1024xf32>, i32) {
      %gt3A_1155 = arith.constant 0 : i32
      %gt3A_1156 = arith.cmpi sgt, %while3A_1154, %gt3A_1155 : i32
      scf.condition(%gt3A_1156) %while3A_1153, %while3A_1154 : vector<1x1024xf32>, i32
    } do {
    ^bb0(%while3A_1153: vector<1x1024xf32>, %while3A_1154: i32):
      %dot_general3A_1155 = arith.constant dense<0.000000e+00> : vector<1x1024xf32>
      %dot_general3A_1156 = tpu.matmul %while3A_1153, %convert_element_type3A_743, %dot_general3A_1155 {dimension_numbers = #tpu.dot_dimension_numbers<[1], [0], [0], [1], [0, 0, 1, 1], [], []>, transpose_lhs_hint = false} : vector<1x1024xf32>, vector<1024x1024xf32>, vector<1x1024xf32> -> vector<1x1024xf32>
      %eq3A_1157 = arith.constant 0.000000e+00 : f32
      %eq3A_1158 = vector.broadcast %eq3A_1157 : f32 to vector<1x1024xf32>
      %eq3A_1159 = arith.cmpf oeq, %dot_general3A_1156, %eq3A_1158 : vector<1x1024xf32>
      %convert_element_type3A_1160 = arith.extui %eq3A_1159 : vector<1x1024xi1> to vector<1x1024xi32>
      %convert_element_type3A_1161 = arith.sitofp %convert_element_type3A_1160 : vector<1x1024xi32> to vector<1x1024xf32>
      %mul3A_1162 = arith.mulf %get3A_746, %convert_element_type3A_1161 : vector<1x1024xf32>
      %ne3A = arith.cmpf one, %mul3A_1162, %while3A_1153 : vector<1x1024xf32>
      %reduce_or3A = arith.constant 1.000000e+00 : f32
      %reduce_or3A_1163 = arith.constant 0.000000e+00 : f32
      %reduce_or3A_1164 = vector.broadcast %reduce_or3A : f32 to vector<1x1024xf32>
      %reduce_or3A_1165 = vector.broadcast %reduce_or3A_1163 : f32 to vector<1x1024xf32>
      %reduce_or3A_1166 = arith.select %ne3A, %reduce_or3A_1164, %reduce_or3A_1165 : vector<1x1024xi1>, vector<1x1024xf32>
      %reduce_or3A_1167 = vector.shape_cast %reduce_or3A_1166 : vector<1x1024xf32> to vector<1x1x1024xf32>
      %reduce_or3A_1168 = arith.constant dense<0xFF800000> : vector<1xf32>
      %reduce_or3A_1169 = vector.multi_reduction <maximumf>, %reduce_or3A_1167, %reduce_or3A_1168 [1, 2] : vector<1x1x1024xf32> to vector<1xf32>
      %reduce_or3A_1170 = vector.shape_cast %reduce_or3A_1169 : vector<1xf32> to vector<1x1x1xf32>
      %reduce_or3A_1171 = vector.extract %reduce_or3A_1170[0, 0, 0] : f32 from vector<1x1x1xf32>
      %reduce_or3A_1172 = arith.constant 0.000000e+00 : f32
      %reduce_or3A_1173 = arith.cmpf ogt, %reduce_or3A_1171, %reduce_or3A_1172 : f32
      %convert_element_type3A_1174 = arith.extui %reduce_or3A_1173 : i1 to i32
      scf.yield %mul3A_1162, %convert_element_type3A_1174 : vector<1x1024xf32>, i32
    }
    %swap3A_749 = arith.constant 0 : index
    %swap3A_750 = arith.constant 2048 : index
    %swap3A_751 = vector.load %arg2[%swap3A_749, %swap3A_750] : memref<1x5120xf32, #tpu.memory_space<vmem>>, vector<1x1024xf32>
    tpu.vector_store %arg2[%swap3A_749, %swap3A_750], %while3A_748#0 {strides = array<i32>} : memref<1x5120xf32, #tpu.memory_space<vmem>>, vector<1x1024xf32>,
    %get3A_752 = arith.constant 2048 : index
    %get3A_753 = arith.constant 0 : index
    %get3A_754 = vector.load %arg0[%get3A_752, %get3A_753] : memref<5120x16xf32, #tpu.memory_space<vmem>>, vector<1024x16xf32>
    %get3A_755 = arith.constant 0 : index
    %get3A_756 = arith.constant 3072 : index
    %get3A_757 = vector.load %arg3[%get3A_755, %get3A_756] : memref<16x5120xf32, #tpu.memory_space<vmem>>, vector<16x1024xf32>
    %slice3A_758 = vector.extract_strided_slice %get3A_754 {offsets = [0, 0], sizes = [1024, 1], strides = [1, 1]} : vector<1024x16xf32> to vector<1024x1xf32>
    %slice3A_759 = vector.extract_strided_slice %get3A_754 {offsets = [0, 1], sizes = [1024, 1], strides = [1, 1]} : vector<1024x16xf32> to vector<1024x1xf32>
    %slice3A_760 = vector.extract_strided_slice %get3A_754 {offsets = [0, 2], sizes = [1024, 1], strides = [1, 1]} : vector<1024x16xf32> to vector<1024x1xf32>
    %slice3A_761 = vector.extract_strided_slice %get3A_754 {offsets = [0, 3], sizes = [1024, 1], strides = [1, 1]} : vector<1024x16xf32> to vector<1024x1xf32>
    %slice3A_762 = vector.extract_strided_slice %get3A_757 {offsets = [0, 0], sizes = [1, 1024], strides = [1, 1]} : vector<16x1024xf32> to vector<1x1024xf32>
    %slice3A_763 = vector.extract_strided_slice %get3A_757 {offsets = [1, 0], sizes = [1, 1024], strides = [1, 1]} : vector<16x1024xf32> to vector<1x1024xf32>
    %slice3A_764 = vector.extract_strided_slice %get3A_757 {offsets = [2, 0], sizes = [1, 1024], strides = [1, 1]} : vector<16x1024xf32> to vector<1x1024xf32>
    %slice3A_765 = vector.extract_strided_slice %get3A_757 {offsets = [3, 0], sizes = [1, 1024], strides = [1, 1]} : vector<16x1024xf32> to vector<1x1024xf32>
    %sub3A_766 = arith.subf %slice3A_760, %slice3A_758 : vector<1024x1xf32>
    %max3A_767 = arith.constant 0.000000e+00 : f32
    %max3A_768 = vector.broadcast %max3A_767 : f32 to vector<1024x1xf32>
    %max3A_769 = arith.maximumf %sub3A_766, %max3A_768 : vector<1024x1xf32>
    %sub3A_770 = arith.subf %slice3A_761, %slice3A_759 : vector<1024x1xf32>
    %max3A_771 = arith.constant 0.000000e+00 : f32
    %max3A_772 = vector.broadcast %max3A_771 : f32 to vector<1024x1xf32>
    %max3A_773 = arith.maximumf %sub3A_770, %max3A_772 : vector<1024x1xf32>
    %mul3A_774 = arith.mulf %max3A_769, %max3A_773 : vector<1024x1xf32>
    %sub3A_775 = arith.subf %slice3A_764, %slice3A_762 : vector<1x1024xf32>
    %max3A_776 = arith.constant 0.000000e+00 : f32
    %max3A_777 = vector.broadcast %max3A_776 : f32 to vector<1x1024xf32>
    %max3A_778 = arith.maximumf %sub3A_775, %max3A_777 : vector<1x1024xf32>
    %sub3A_779 = arith.subf %slice3A_765, %slice3A_763 : vector<1x1024xf32>
    %max3A_780 = arith.constant 0.000000e+00 : f32
    %max3A_781 = vector.broadcast %max3A_780 : f32 to vector<1x1024xf32>
    %max3A_782 = arith.maximumf %sub3A_779, %max3A_781 : vector<1x1024xf32>
    %mul3A_783 = arith.mulf %max3A_778, %max3A_782 : vector<1x1024xf32>
    %max3A_784 = vector.broadcast %slice3A_758 : vector<1024x1xf32> to vector<1024x1024xf32>
    %max3A_785 = vector.broadcast %slice3A_762 : vector<1x1024xf32> to vector<1024x1024xf32>
    %max3A_786 = arith.maximumf %max3A_784, %max3A_785 : vector<1024x1024xf32>
    %max3A_787 = vector.broadcast %slice3A_759 : vector<1024x1xf32> to vector<1024x1024xf32>
    %max3A_788 = vector.broadcast %slice3A_763 : vector<1x1024xf32> to vector<1024x1024xf32>
    %max3A_789 = arith.maximumf %max3A_787, %max3A_788 : vector<1024x1024xf32>
    %min3A_790 = vector.broadcast %slice3A_760 : vector<1024x1xf32> to vector<1024x1024xf32>
    %min3A_791 = vector.broadcast %slice3A_764 : vector<1x1024xf32> to vector<1024x1024xf32>
    %min3A_792 = arith.minimumf %min3A_790, %min3A_791 : vector<1024x1024xf32>
    %min3A_793 = vector.broadcast %slice3A_761 : vector<1024x1xf32> to vector<1024x1024xf32>
    %min3A_794 = vector.broadcast %slice3A_765 : vector<1x1024xf32> to vector<1024x1024xf32>
    %min3A_795 = arith.minimumf %min3A_793, %min3A_794 : vector<1024x1024xf32>
    %sub3A_796 = arith.subf %min3A_792, %max3A_786 : vector<1024x1024xf32>
    %max3A_797 = arith.constant 0.000000e+00 : f32
    %max3A_798 = vector.broadcast %max3A_797 : f32 to vector<1024x1024xf32>
    %max3A_799 = arith.maximumf %sub3A_796, %max3A_798 : vector<1024x1024xf32>
    %sub3A_800 = arith.subf %min3A_795, %max3A_789 : vector<1024x1024xf32>
    %max3A_801 = arith.constant 0.000000e+00 : f32
    %max3A_802 = vector.broadcast %max3A_801 : f32 to vector<1024x1024xf32>
    %max3A_803 = arith.maximumf %sub3A_800, %max3A_802 : vector<1024x1024xf32>
    %mul3A_804 = arith.mulf %max3A_799, %max3A_803 : vector<1024x1024xf32>
    %add3A_805 = vector.broadcast %mul3A_774 : vector<1024x1xf32> to vector<1024x1024xf32>
    %add3A_806 = vector.broadcast %mul3A_783 : vector<1x1024xf32> to vector<1024x1024xf32>
    %add3A_807 = arith.addf %add3A_805, %add3A_806 : vector<1024x1024xf32>
    %sub3A_808 = arith.subf %add3A_807, %mul3A_804 : vector<1024x1024xf32>
    %div3A_809 = arith.divf %mul3A_804, %sub3A_808 : vector<1024x1024xf32>
    %gt3A_810 = arith.constant 6.000000e-01 : f32
    %gt3A_811 = vector.broadcast %gt3A_810 : f32 to vector<1024x1024xf32>
    %gt3A_812 = arith.cmpf ogt, %div3A_809, %gt3A_811 : vector<1024x1024xf32>
    %convert_element_type3A_813 = arith.extui %gt3A_812 : vector<1024x1024xi1> to vector<1024x1024xi32>
    %convert_element_type3A_814 = arith.sitofp %convert_element_type3A_813 : vector<1024x1024xi32> to vector<1024x1024xf32>
    %dot_general3A_815 = arith.constant dense<0.000000e+00> : vector<1x1024xf32>
    %dot_general3A_816 = tpu.matmul %while3A_748#0, %convert_element_type3A_814, %dot_general3A_815 {dimension_numbers = #tpu.dot_dimension_numbers<[1], [0], [0], [1], [0, 0, 1, 1], [], []>, transpose_lhs_hint = false} : vector<1x1024xf32>, vector<1024x1024xf32>, vector<1x1024xf32> -> vector<1x1024xf32>
    %get3A_817 = arith.constant 0 : index
    %get3A_818 = arith.constant 3072 : index
    %get3A_819 = vector.load %arg2[%get3A_817, %get3A_818] : memref<1x5120xf32, #tpu.memory_space<vmem>>, vector<1x1024xf32>
    %eq3A_820 = arith.constant 0.000000e+00 : f32
    %eq3A_821 = vector.broadcast %eq3A_820 : f32 to vector<1x1024xf32>
    %eq3A_822 = arith.cmpf oeq, %dot_general3A_816, %eq3A_821 : vector<1x1024xf32>
    %convert_element_type3A_823 = arith.extui %eq3A_822 : vector<1x1024xi1> to vector<1x1024xi32>
    %convert_element_type3A_824 = arith.sitofp %convert_element_type3A_823 : vector<1x1024xi32> to vector<1x1024xf32>
    %mul3A_825 = arith.mulf %get3A_819, %convert_element_type3A_824 : vector<1x1024xf32>
    %swap3A_826 = arith.constant 0 : index
    %swap3A_827 = arith.constant 3072 : index
    %swap3A_828 = vector.load %arg2[%swap3A_826, %swap3A_827] : memref<1x5120xf32, #tpu.memory_space<vmem>>, vector<1x1024xf32>
    tpu.vector_store %arg2[%swap3A_826, %swap3A_827], %mul3A_825 {strides = array<i32>} : memref<1x5120xf32, #tpu.memory_space<vmem>>, vector<1x1024xf32>,
    %get3A_829 = arith.constant 2048 : index
    %get3A_830 = arith.constant 0 : index
    %get3A_831 = vector.load %arg0[%get3A_829, %get3A_830] : memref<5120x16xf32, #tpu.memory_space<vmem>>, vector<1024x16xf32>
    %get3A_832 = arith.constant 0 : index
    %get3A_833 = arith.constant 4096 : index
    %get3A_834 = vector.load %arg3[%get3A_832, %get3A_833] : memref<16x5120xf32, #tpu.memory_space<vmem>>, vector<16x1024xf32>
    %slice3A_835 = vector.extract_strided_slice %get3A_831 {offsets = [0, 0], sizes = [1024, 1], strides = [1, 1]} : vector<1024x16xf32> to vector<1024x1xf32>
    %slice3A_836 = vector.extract_strided_slice %get3A_831 {offsets = [0, 1], sizes = [1024, 1], strides = [1, 1]} : vector<1024x16xf32> to vector<1024x1xf32>
    %slice3A_837 = vector.extract_strided_slice %get3A_831 {offsets = [0, 2], sizes = [1024, 1], strides = [1, 1]} : vector<1024x16xf32> to vector<1024x1xf32>
    %slice3A_838 = vector.extract_strided_slice %get3A_831 {offsets = [0, 3], sizes = [1024, 1], strides = [1, 1]} : vector<1024x16xf32> to vector<1024x1xf32>
    %slice3A_839 = vector.extract_strided_slice %get3A_834 {offsets = [0, 0], sizes = [1, 1024], strides = [1, 1]} : vector<16x1024xf32> to vector<1x1024xf32>
    %slice3A_840 = vector.extract_strided_slice %get3A_834 {offsets = [1, 0], sizes = [1, 1024], strides = [1, 1]} : vector<16x1024xf32> to vector<1x1024xf32>
    %slice3A_841 = vector.extract_strided_slice %get3A_834 {offsets = [2, 0], sizes = [1, 1024], strides = [1, 1]} : vector<16x1024xf32> to vector<1x1024xf32>
    %slice3A_842 = vector.extract_strided_slice %get3A_834 {offsets = [3, 0], sizes = [1, 1024], strides = [1, 1]} : vector<16x1024xf32> to vector<1x1024xf32>
    %sub3A_843 = arith.subf %slice3A_837, %slice3A_835 : vector<1024x1xf32>
    %max3A_844 = arith.constant 0.000000e+00 : f32
    %max3A_845 = vector.broadcast %max3A_844 : f32 to vector<1024x1xf32>
    %max3A_846 = arith.maximumf %sub3A_843, %max3A_845 : vector<1024x1xf32>
    %sub3A_847 = arith.subf %slice3A_838, %slice3A_836 : vector<1024x1xf32>
    %max3A_848 = arith.constant 0.000000e+00 : f32
    %max3A_849 = vector.broadcast %max3A_848 : f32 to vector<1024x1xf32>
    %max3A_850 = arith.maximumf %sub3A_847, %max3A_849 : vector<1024x1xf32>
    %mul3A_851 = arith.mulf %max3A_846, %max3A_850 : vector<1024x1xf32>
    %sub3A_852 = arith.subf %slice3A_841, %slice3A_839 : vector<1x1024xf32>
    %max3A_853 = arith.constant 0.000000e+00 : f32
    %max3A_854 = vector.broadcast %max3A_853 : f32 to vector<1x1024xf32>
    %max3A_855 = arith.maximumf %sub3A_852, %max3A_854 : vector<1x1024xf32>
    %sub3A_856 = arith.subf %slice3A_842, %slice3A_840 : vector<1x1024xf32>
    %max3A_857 = arith.constant 0.000000e+00 : f32
    %max3A_858 = vector.broadcast %max3A_857 : f32 to vector<1x1024xf32>
    %max3A_859 = arith.maximumf %sub3A_856, %max3A_858 : vector<1x1024xf32>
    %mul3A_860 = arith.mulf %max3A_855, %max3A_859 : vector<1x1024xf32>
    %max3A_861 = vector.broadcast %slice3A_835 : vector<1024x1xf32> to vector<1024x1024xf32>
    %max3A_862 = vector.broadcast %slice3A_839 : vector<1x1024xf32> to vector<1024x1024xf32>
    %max3A_863 = arith.maximumf %max3A_861, %max3A_862 : vector<1024x1024xf32>
    %max3A_864 = vector.broadcast %slice3A_836 : vector<1024x1xf32> to vector<1024x1024xf32>
    %max3A_865 = vector.broadcast %slice3A_840 : vector<1x1024xf32> to vector<1024x1024xf32>
    %max3A_866 = arith.maximumf %max3A_864, %max3A_865 : vector<1024x1024xf32>
    %min3A_867 = vector.broadcast %slice3A_837 : vector<1024x1xf32> to vector<1024x1024xf32>
    %min3A_868 = vector.broadcast %slice3A_841 : vector<1x1024xf32> to vector<1024x1024xf32>
    %min3A_869 = arith.minimumf %min3A_867, %min3A_868 : vector<1024x1024xf32>
    %min3A_870 = vector.broadcast %slice3A_838 : vector<1024x1xf32> to vector<1024x1024xf32>
    %min3A_871 = vector.broadcast %slice3A_842 : vector<1x1024xf32> to vector<1024x1024xf32>
    %min3A_872 = arith.minimumf %min3A_870, %min3A_871 : vector<1024x1024xf32>
    %sub3A_873 = arith.subf %min3A_869, %max3A_863 : vector<1024x1024xf32>
    %max3A_874 = arith.constant 0.000000e+00 : f32
    %max3A_875 = vector.broadcast %max3A_874 : f32 to vector<1024x1024xf32>
    %max3A_876 = arith.maximumf %sub3A_873, %max3A_875 : vector<1024x1024xf32>
    %sub3A_877 = arith.subf %min3A_872, %max3A_866 : vector<1024x1024xf32>
    %max3A_878 = arith.constant 0.000000e+00 : f32
    %max3A_879 = vector.broadcast %max3A_878 : f32 to vector<1024x1024xf32>
    %max3A_880 = arith.maximumf %sub3A_877, %max3A_879 : vector<1024x1024xf32>
    %mul3A_881 = arith.mulf %max3A_876, %max3A_880 : vector<1024x1024xf32>
    %add3A_882 = vector.broadcast %mul3A_851 : vector<1024x1xf32> to vector<1024x1024xf32>
    %add3A_883 = vector.broadcast %mul3A_860 : vector<1x1024xf32> to vector<1024x1024xf32>
    %add3A_884 = arith.addf %add3A_882, %add3A_883 : vector<1024x1024xf32>
    %sub3A_885 = arith.subf %add3A_884, %mul3A_881 : vector<1024x1024xf32>
    %div3A_886 = arith.divf %mul3A_881, %sub3A_885 : vector<1024x1024xf32>
    %gt3A_887 = arith.constant 6.000000e-01 : f32
    %gt3A_888 = vector.broadcast %gt3A_887 : f32 to vector<1024x1024xf32>
    %gt3A_889 = arith.cmpf ogt, %div3A_886, %gt3A_888 : vector<1024x1024xf32>
    %convert_element_type3A_890 = arith.extui %gt3A_889 : vector<1024x1024xi1> to vector<1024x1024xi32>
    %convert_element_type3A_891 = arith.sitofp %convert_element_type3A_890 : vector<1024x1024xi32> to vector<1024x1024xf32>
    %dot_general3A_892 = arith.constant dense<0.000000e+00> : vector<1x1024xf32>
    %dot_general3A_893 = tpu.matmul %while3A_748#0, %convert_element_type3A_891, %dot_general3A_892 {dimension_numbers = #tpu.dot_dimension_numbers<[1], [0], [0], [1], [0, 0, 1, 1], [], []>, transpose_lhs_hint = false} : vector<1x1024xf32>, vector<1024x1024xf32>, vector<1x1024xf32> -> vector<1x1024xf32>
    %get3A_894 = arith.constant 0 : index
    %get3A_895 = arith.constant 4096 : index
    %get3A_896 = vector.load %arg2[%get3A_894, %get3A_895] : memref<1x5120xf32, #tpu.memory_space<vmem>>, vector<1x1024xf32>
    %eq3A_897 = arith.constant 0.000000e+00 : f32
    %eq3A_898 = vector.broadcast %eq3A_897 : f32 to vector<1x1024xf32>
    %eq3A_899 = arith.cmpf oeq, %dot_general3A_893, %eq3A_898 : vector<1x1024xf32>
    %convert_element_type3A_900 = arith.extui %eq3A_899 : vector<1x1024xi1> to vector<1x1024xi32>
    %convert_element_type3A_901 = arith.sitofp %convert_element_type3A_900 : vector<1x1024xi32> to vector<1x1024xf32>
    %mul3A_902 = arith.mulf %get3A_896, %convert_element_type3A_901 : vector<1x1024xf32>
    %swap3A_903 = arith.constant 0 : index
    %swap3A_904 = arith.constant 4096 : index
    %swap3A_905 = vector.load %arg2[%swap3A_903, %swap3A_904] : memref<1x5120xf32, #tpu.memory_space<vmem>>, vector<1x1024xf32>
    tpu.vector_store %arg2[%swap3A_903, %swap3A_904], %mul3A_902 {strides = array<i32>} : memref<1x5120xf32, #tpu.memory_space<vmem>>, vector<1x1024xf32>,
    %get3A_906 = arith.constant 3072 : index
    %get3A_907 = arith.constant 0 : index
    %get3A_908 = vector.load %arg0[%get3A_906, %get3A_907] : memref<5120x16xf32, #tpu.memory_space<vmem>>, vector<1024x16xf32>
    %get3A_909 = arith.constant 0 : index
    %get3A_910 = arith.constant 3072 : index
    %get3A_911 = vector.load %arg3[%get3A_909, %get3A_910] : memref<16x5120xf32, #tpu.memory_space<vmem>>, vector<16x1024xf32>
    %slice3A_912 = vector.extract_strided_slice %get3A_908 {offsets = [0, 0], sizes = [1024, 1], strides = [1, 1]} : vector<1024x16xf32> to vector<1024x1xf32>
    %slice3A_913 = vector.extract_strided_slice %get3A_908 {offsets = [0, 1], sizes = [1024, 1], strides = [1, 1]} : vector<1024x16xf32> to vector<1024x1xf32>
    %slice3A_914 = vector.extract_strided_slice %get3A_908 {offsets = [0, 2], sizes = [1024, 1], strides = [1, 1]} : vector<1024x16xf32> to vector<1024x1xf32>
    %slice3A_915 = vector.extract_strided_slice %get3A_908 {offsets = [0, 3], sizes = [1024, 1], strides = [1, 1]} : vector<1024x16xf32> to vector<1024x1xf32>
    %slice3A_916 = vector.extract_strided_slice %get3A_911 {offsets = [0, 0], sizes = [1, 1024], strides = [1, 1]} : vector<16x1024xf32> to vector<1x1024xf32>
    %slice3A_917 = vector.extract_strided_slice %get3A_911 {offsets = [1, 0], sizes = [1, 1024], strides = [1, 1]} : vector<16x1024xf32> to vector<1x1024xf32>
    %slice3A_918 = vector.extract_strided_slice %get3A_911 {offsets = [2, 0], sizes = [1, 1024], strides = [1, 1]} : vector<16x1024xf32> to vector<1x1024xf32>
    %slice3A_919 = vector.extract_strided_slice %get3A_911 {offsets = [3, 0], sizes = [1, 1024], strides = [1, 1]} : vector<16x1024xf32> to vector<1x1024xf32>
    %sub3A_920 = arith.subf %slice3A_914, %slice3A_912 : vector<1024x1xf32>
    %max3A_921 = arith.constant 0.000000e+00 : f32
    %max3A_922 = vector.broadcast %max3A_921 : f32 to vector<1024x1xf32>
    %max3A_923 = arith.maximumf %sub3A_920, %max3A_922 : vector<1024x1xf32>
    %sub3A_924 = arith.subf %slice3A_915, %slice3A_913 : vector<1024x1xf32>
    %max3A_925 = arith.constant 0.000000e+00 : f32
    %max3A_926 = vector.broadcast %max3A_925 : f32 to vector<1024x1xf32>
    %max3A_927 = arith.maximumf %sub3A_924, %max3A_926 : vector<1024x1xf32>
    %mul3A_928 = arith.mulf %max3A_923, %max3A_927 : vector<1024x1xf32>
    %sub3A_929 = arith.subf %slice3A_918, %slice3A_916 : vector<1x1024xf32>
    %max3A_930 = arith.constant 0.000000e+00 : f32
    %max3A_931 = vector.broadcast %max3A_930 : f32 to vector<1x1024xf32>
    %max3A_932 = arith.maximumf %sub3A_929, %max3A_931 : vector<1x1024xf32>
    %sub3A_933 = arith.subf %slice3A_919, %slice3A_917 : vector<1x1024xf32>
    %max3A_934 = arith.constant 0.000000e+00 : f32
    %max3A_935 = vector.broadcast %max3A_934 : f32 to vector<1x1024xf32>
    %max3A_936 = arith.maximumf %sub3A_933, %max3A_935 : vector<1x1024xf32>
    %mul3A_937 = arith.mulf %max3A_932, %max3A_936 : vector<1x1024xf32>
    %max3A_938 = vector.broadcast %slice3A_912 : vector<1024x1xf32> to vector<1024x1024xf32>
    %max3A_939 = vector.broadcast %slice3A_916 : vector<1x1024xf32> to vector<1024x1024xf32>
    %max3A_940 = arith.maximumf %max3A_938, %max3A_939 : vector<1024x1024xf32>
    %max3A_941 = vector.broadcast %slice3A_913 : vector<1024x1xf32> to vector<1024x1024xf32>
    %max3A_942 = vector.broadcast %slice3A_917 : vector<1x1024xf32> to vector<1024x1024xf32>
    %max3A_943 = arith.maximumf %max3A_941, %max3A_942 : vector<1024x1024xf32>
    %min3A_944 = vector.broadcast %slice3A_914 : vector<1024x1xf32> to vector<1024x1024xf32>
    %min3A_945 = vector.broadcast %slice3A_918 : vector<1x1024xf32> to vector<1024x1024xf32>
    %min3A_946 = arith.minimumf %min3A_944, %min3A_945 : vector<1024x1024xf32>
    %min3A_947 = vector.broadcast %slice3A_915 : vector<1024x1xf32> to vector<1024x1024xf32>
    %min3A_948 = vector.broadcast %slice3A_919 : vector<1x1024xf32> to vector<1024x1024xf32>
    %min3A_949 = arith.minimumf %min3A_947, %min3A_948 : vector<1024x1024xf32>
    %sub3A_950 = arith.subf %min3A_946, %max3A_940 : vector<1024x1024xf32>
    %max3A_951 = arith.constant 0.000000e+00 : f32
    %max3A_952 = vector.broadcast %max3A_951 : f32 to vector<1024x1024xf32>
    %max3A_953 = arith.maximumf %sub3A_950, %max3A_952 : vector<1024x1024xf32>
    %sub3A_954 = arith.subf %min3A_949, %max3A_943 : vector<1024x1024xf32>
    %max3A_955 = arith.constant 0.000000e+00 : f32
    %max3A_956 = vector.broadcast %max3A_955 : f32 to vector<1024x1024xf32>
    %max3A_957 = arith.maximumf %sub3A_954, %max3A_956 : vector<1024x1024xf32>
    %mul3A_958 = arith.mulf %max3A_953, %max3A_957 : vector<1024x1024xf32>
    %add3A_959 = vector.broadcast %mul3A_928 : vector<1024x1xf32> to vector<1024x1024xf32>
    %add3A_960 = vector.broadcast %mul3A_937 : vector<1x1024xf32> to vector<1024x1024xf32>
    %add3A_961 = arith.addf %add3A_959, %add3A_960 : vector<1024x1024xf32>
    %sub3A_962 = arith.subf %add3A_961, %mul3A_958 : vector<1024x1024xf32>
    %div3A_963 = arith.divf %mul3A_958, %sub3A_962 : vector<1024x1024xf32>
    %gt3A_964 = arith.constant 6.000000e-01 : f32
    %gt3A_965 = vector.broadcast %gt3A_964 : f32 to vector<1024x1024xf32>
    %gt3A_966 = arith.cmpf ogt, %div3A_963, %gt3A_965 : vector<1024x1024xf32>
    %and3A_967 = arith.andi %gt3A_966, %gt3A : vector<1024x1024xi1>
    %convert_element_type3A_968 = arith.extui %and3A_967 : vector<1024x1024xi1> to vector<1024x1024xi32>
    %convert_element_type3A_969 = arith.sitofp %convert_element_type3A_968 : vector<1024x1024xi32> to vector<1024x1024xf32>
    %get3A_970 = arith.constant 0 : index
    %get3A_971 = arith.constant 3072 : index
    %get3A_972 = vector.load %arg2[%get3A_970, %get3A_971] : memref<1x5120xf32, #tpu.memory_space<vmem>>, vector<1x1024xf32>
    %while3A_973 = arith.constant 1 : i32
    %while3A_974:2 = scf.while (%while3A_1153 = %get3A_972, %while3A_1154 = %while3A_973) : (vector<1x1024xf32>, i32) -> (vector<1x1024xf32>, i32) {
      %gt3A_1155 = arith.constant 0 : i32
      %gt3A_1156 = arith.cmpi sgt, %while3A_1154, %gt3A_1155 : i32
      scf.condition(%gt3A_1156) %while3A_1153, %while3A_1154 : vector<1x1024xf32>, i32
    } do {
    ^bb0(%while3A_1153: vector<1x1024xf32>, %while3A_1154: i32):
      %dot_general3A_1155 = arith.constant dense<0.000000e+00> : vector<1x1024xf32>
      %dot_general3A_1156 = tpu.matmul %while3A_1153, %convert_element_type3A_969, %dot_general3A_1155 {dimension_numbers = #tpu.dot_dimension_numbers<[1], [0], [0], [1], [0, 0, 1, 1], [], []>, transpose_lhs_hint = false} : vector<1x1024xf32>, vector<1024x1024xf32>, vector<1x1024xf32> -> vector<1x1024xf32>
      %eq3A_1157 = arith.constant 0.000000e+00 : f32
      %eq3A_1158 = vector.broadcast %eq3A_1157 : f32 to vector<1x1024xf32>
      %eq3A_1159 = arith.cmpf oeq, %dot_general3A_1156, %eq3A_1158 : vector<1x1024xf32>
      %convert_element_type3A_1160 = arith.extui %eq3A_1159 : vector<1x1024xi1> to vector<1x1024xi32>
      %convert_element_type3A_1161 = arith.sitofp %convert_element_type3A_1160 : vector<1x1024xi32> to vector<1x1024xf32>
      %mul3A_1162 = arith.mulf %get3A_972, %convert_element_type3A_1161 : vector<1x1024xf32>
      %ne3A = arith.cmpf one, %mul3A_1162, %while3A_1153 : vector<1x1024xf32>
      %reduce_or3A = arith.constant 1.000000e+00 : f32
      %reduce_or3A_1163 = arith.constant 0.000000e+00 : f32
      %reduce_or3A_1164 = vector.broadcast %reduce_or3A : f32 to vector<1x1024xf32>
      %reduce_or3A_1165 = vector.broadcast %reduce_or3A_1163 : f32 to vector<1x1024xf32>
      %reduce_or3A_1166 = arith.select %ne3A, %reduce_or3A_1164, %reduce_or3A_1165 : vector<1x1024xi1>, vector<1x1024xf32>
      %reduce_or3A_1167 = vector.shape_cast %reduce_or3A_1166 : vector<1x1024xf32> to vector<1x1x1024xf32>
      %reduce_or3A_1168 = arith.constant dense<0xFF800000> : vector<1xf32>
      %reduce_or3A_1169 = vector.multi_reduction <maximumf>, %reduce_or3A_1167, %reduce_or3A_1168 [1, 2] : vector<1x1x1024xf32> to vector<1xf32>
      %reduce_or3A_1170 = vector.shape_cast %reduce_or3A_1169 : vector<1xf32> to vector<1x1x1xf32>
      %reduce_or3A_1171 = vector.extract %reduce_or3A_1170[0, 0, 0] : f32 from vector<1x1x1xf32>
      %reduce_or3A_1172 = arith.constant 0.000000e+00 : f32
      %reduce_or3A_1173 = arith.cmpf ogt, %reduce_or3A_1171, %reduce_or3A_1172 : f32
      %convert_element_type3A_1174 = arith.extui %reduce_or3A_1173 : i1 to i32
      scf.yield %mul3A_1162, %convert_element_type3A_1174 : vector<1x1024xf32>, i32
    }
    %swap3A_975 = arith.constant 0 : index
    %swap3A_976 = arith.constant 3072 : index
    %swap3A_977 = vector.load %arg2[%swap3A_975, %swap3A_976] : memref<1x5120xf32, #tpu.memory_space<vmem>>, vector<1x1024xf32>
    tpu.vector_store %arg2[%swap3A_975, %swap3A_976], %while3A_974#0 {strides = array<i32>} : memref<1x5120xf32, #tpu.memory_space<vmem>>, vector<1x1024xf32>,
    %get3A_978 = arith.constant 3072 : index
    %get3A_979 = arith.constant 0 : index
    %get3A_980 = vector.load %arg0[%get3A_978, %get3A_979] : memref<5120x16xf32, #tpu.memory_space<vmem>>, vector<1024x16xf32>
    %get3A_981 = arith.constant 0 : index
    %get3A_982 = arith.constant 4096 : index
    %get3A_983 = vector.load %arg3[%get3A_981, %get3A_982] : memref<16x5120xf32, #tpu.memory_space<vmem>>, vector<16x1024xf32>
    %slice3A_984 = vector.extract_strided_slice %get3A_980 {offsets = [0, 0], sizes = [1024, 1], strides = [1, 1]} : vector<1024x16xf32> to vector<1024x1xf32>
    %slice3A_985 = vector.extract_strided_slice %get3A_980 {offsets = [0, 1], sizes = [1024, 1], strides = [1, 1]} : vector<1024x16xf32> to vector<1024x1xf32>
    %slice3A_986 = vector.extract_strided_slice %get3A_980 {offsets = [0, 2], sizes = [1024, 1], strides = [1, 1]} : vector<1024x16xf32> to vector<1024x1xf32>
    %slice3A_987 = vector.extract_strided_slice %get3A_980 {offsets = [0, 3], sizes = [1024, 1], strides = [1, 1]} : vector<1024x16xf32> to vector<1024x1xf32>
    %slice3A_988 = vector.extract_strided_slice %get3A_983 {offsets = [0, 0], sizes = [1, 1024], strides = [1, 1]} : vector<16x1024xf32> to vector<1x1024xf32>
    %slice3A_989 = vector.extract_strided_slice %get3A_983 {offsets = [1, 0], sizes = [1, 1024], strides = [1, 1]} : vector<16x1024xf32> to vector<1x1024xf32>
    %slice3A_990 = vector.extract_strided_slice %get3A_983 {offsets = [2, 0], sizes = [1, 1024], strides = [1, 1]} : vector<16x1024xf32> to vector<1x1024xf32>
    %slice3A_991 = vector.extract_strided_slice %get3A_983 {offsets = [3, 0], sizes = [1, 1024], strides = [1, 1]} : vector<16x1024xf32> to vector<1x1024xf32>
    %sub3A_992 = arith.subf %slice3A_986, %slice3A_984 : vector<1024x1xf32>
    %max3A_993 = arith.constant 0.000000e+00 : f32
    %max3A_994 = vector.broadcast %max3A_993 : f32 to vector<1024x1xf32>
    %max3A_995 = arith.maximumf %sub3A_992, %max3A_994 : vector<1024x1xf32>
    %sub3A_996 = arith.subf %slice3A_987, %slice3A_985 : vector<1024x1xf32>
    %max3A_997 = arith.constant 0.000000e+00 : f32
    %max3A_998 = vector.broadcast %max3A_997 : f32 to vector<1024x1xf32>
    %max3A_999 = arith.maximumf %sub3A_996, %max3A_998 : vector<1024x1xf32>
    %mul3A_1000 = arith.mulf %max3A_995, %max3A_999 : vector<1024x1xf32>
    %sub3A_1001 = arith.subf %slice3A_990, %slice3A_988 : vector<1x1024xf32>
    %max3A_1002 = arith.constant 0.000000e+00 : f32
    %max3A_1003 = vector.broadcast %max3A_1002 : f32 to vector<1x1024xf32>
    %max3A_1004 = arith.maximumf %sub3A_1001, %max3A_1003 : vector<1x1024xf32>
    %sub3A_1005 = arith.subf %slice3A_991, %slice3A_989 : vector<1x1024xf32>
    %max3A_1006 = arith.constant 0.000000e+00 : f32
    %max3A_1007 = vector.broadcast %max3A_1006 : f32 to vector<1x1024xf32>
    %max3A_1008 = arith.maximumf %sub3A_1005, %max3A_1007 : vector<1x1024xf32>
    %mul3A_1009 = arith.mulf %max3A_1004, %max3A_1008 : vector<1x1024xf32>
    %max3A_1010 = vector.broadcast %slice3A_984 : vector<1024x1xf32> to vector<1024x1024xf32>
    %max3A_1011 = vector.broadcast %slice3A_988 : vector<1x1024xf32> to vector<1024x1024xf32>
    %max3A_1012 = arith.maximumf %max3A_1010, %max3A_1011 : vector<1024x1024xf32>
    %max3A_1013 = vector.broadcast %slice3A_985 : vector<1024x1xf32> to vector<1024x1024xf32>
    %max3A_1014 = vector.broadcast %slice3A_989 : vector<1x1024xf32> to vector<1024x1024xf32>
    %max3A_1015 = arith.maximumf %max3A_1013, %max3A_1014 : vector<1024x1024xf32>
    %min3A_1016 = vector.broadcast %slice3A_986 : vector<1024x1xf32> to vector<1024x1024xf32>
    %min3A_1017 = vector.broadcast %slice3A_990 : vector<1x1024xf32> to vector<1024x1024xf32>
    %min3A_1018 = arith.minimumf %min3A_1016, %min3A_1017 : vector<1024x1024xf32>
    %min3A_1019 = vector.broadcast %slice3A_987 : vector<1024x1xf32> to vector<1024x1024xf32>
    %min3A_1020 = vector.broadcast %slice3A_991 : vector<1x1024xf32> to vector<1024x1024xf32>
    %min3A_1021 = arith.minimumf %min3A_1019, %min3A_1020 : vector<1024x1024xf32>
    %sub3A_1022 = arith.subf %min3A_1018, %max3A_1012 : vector<1024x1024xf32>
    %max3A_1023 = arith.constant 0.000000e+00 : f32
    %max3A_1024 = vector.broadcast %max3A_1023 : f32 to vector<1024x1024xf32>
    %max3A_1025 = arith.maximumf %sub3A_1022, %max3A_1024 : vector<1024x1024xf32>
    %sub3A_1026 = arith.subf %min3A_1021, %max3A_1015 : vector<1024x1024xf32>
    %max3A_1027 = arith.constant 0.000000e+00 : f32
    %max3A_1028 = vector.broadcast %max3A_1027 : f32 to vector<1024x1024xf32>
    %max3A_1029 = arith.maximumf %sub3A_1026, %max3A_1028 : vector<1024x1024xf32>
    %mul3A_1030 = arith.mulf %max3A_1025, %max3A_1029 : vector<1024x1024xf32>
    %add3A_1031 = vector.broadcast %mul3A_1000 : vector<1024x1xf32> to vector<1024x1024xf32>
    %add3A_1032 = vector.broadcast %mul3A_1009 : vector<1x1024xf32> to vector<1024x1024xf32>
    %add3A_1033 = arith.addf %add3A_1031, %add3A_1032 : vector<1024x1024xf32>
    %sub3A_1034 = arith.subf %add3A_1033, %mul3A_1030 : vector<1024x1024xf32>
    %div3A_1035 = arith.divf %mul3A_1030, %sub3A_1034 : vector<1024x1024xf32>
    %gt3A_1036 = arith.constant 6.000000e-01 : f32
    %gt3A_1037 = vector.broadcast %gt3A_1036 : f32 to vector<1024x1024xf32>
    %gt3A_1038 = arith.cmpf ogt, %div3A_1035, %gt3A_1037 : vector<1024x1024xf32>
    %convert_element_type3A_1039 = arith.extui %gt3A_1038 : vector<1024x1024xi1> to vector<1024x1024xi32>
    %convert_element_type3A_1040 = arith.sitofp %convert_element_type3A_1039 : vector<1024x1024xi32> to vector<1024x1024xf32>
    %dot_general3A_1041 = arith.constant dense<0.000000e+00> : vector<1x1024xf32>
    %dot_general3A_1042 = tpu.matmul %while3A_974#0, %convert_element_type3A_1040, %dot_general3A_1041 {dimension_numbers = #tpu.dot_dimension_numbers<[1], [0], [0], [1], [0, 0, 1, 1], [], []>, transpose_lhs_hint = false} : vector<1x1024xf32>, vector<1024x1024xf32>, vector<1x1024xf32> -> vector<1x1024xf32>
    %get3A_1043 = arith.constant 0 : index
    %get3A_1044 = arith.constant 4096 : index
    %get3A_1045 = vector.load %arg2[%get3A_1043, %get3A_1044] : memref<1x5120xf32, #tpu.memory_space<vmem>>, vector<1x1024xf32>
    %eq3A_1046 = arith.constant 0.000000e+00 : f32
    %eq3A_1047 = vector.broadcast %eq3A_1046 : f32 to vector<1x1024xf32>
    %eq3A_1048 = arith.cmpf oeq, %dot_general3A_1042, %eq3A_1047 : vector<1x1024xf32>
    %convert_element_type3A_1049 = arith.extui %eq3A_1048 : vector<1x1024xi1> to vector<1x1024xi32>
    %convert_element_type3A_1050 = arith.sitofp %convert_element_type3A_1049 : vector<1x1024xi32> to vector<1x1024xf32>
    %mul3A_1051 = arith.mulf %get3A_1045, %convert_element_type3A_1050 : vector<1x1024xf32>
    %swap3A_1052 = arith.constant 0 : index
    %swap3A_1053 = arith.constant 4096 : index
    %swap3A_1054 = vector.load %arg2[%swap3A_1052, %swap3A_1053] : memref<1x5120xf32, #tpu.memory_space<vmem>>, vector<1x1024xf32>
    tpu.vector_store %arg2[%swap3A_1052, %swap3A_1053], %mul3A_1051 {strides = array<i32>} : memref<1x5120xf32, #tpu.memory_space<vmem>>, vector<1x1024xf32>,
    %get3A_1055 = arith.constant 4096 : index
    %get3A_1056 = arith.constant 0 : index
    %get3A_1057 = vector.load %arg0[%get3A_1055, %get3A_1056] : memref<5120x16xf32, #tpu.memory_space<vmem>>, vector<1024x16xf32>
    %get3A_1058 = arith.constant 0 : index
    %get3A_1059 = arith.constant 4096 : index
    %get3A_1060 = vector.load %arg3[%get3A_1058, %get3A_1059] : memref<16x5120xf32, #tpu.memory_space<vmem>>, vector<16x1024xf32>
    %slice3A_1061 = vector.extract_strided_slice %get3A_1057 {offsets = [0, 0], sizes = [1024, 1], strides = [1, 1]} : vector<1024x16xf32> to vector<1024x1xf32>
    %slice3A_1062 = vector.extract_strided_slice %get3A_1057 {offsets = [0, 1], sizes = [1024, 1], strides = [1, 1]} : vector<1024x16xf32> to vector<1024x1xf32>
    %slice3A_1063 = vector.extract_strided_slice %get3A_1057 {offsets = [0, 2], sizes = [1024, 1], strides = [1, 1]} : vector<1024x16xf32> to vector<1024x1xf32>
    %slice3A_1064 = vector.extract_strided_slice %get3A_1057 {offsets = [0, 3], sizes = [1024, 1], strides = [1, 1]} : vector<1024x16xf32> to vector<1024x1xf32>
    %slice3A_1065 = vector.extract_strided_slice %get3A_1060 {offsets = [0, 0], sizes = [1, 1024], strides = [1, 1]} : vector<16x1024xf32> to vector<1x1024xf32>
    %slice3A_1066 = vector.extract_strided_slice %get3A_1060 {offsets = [1, 0], sizes = [1, 1024], strides = [1, 1]} : vector<16x1024xf32> to vector<1x1024xf32>
    %slice3A_1067 = vector.extract_strided_slice %get3A_1060 {offsets = [2, 0], sizes = [1, 1024], strides = [1, 1]} : vector<16x1024xf32> to vector<1x1024xf32>
    %slice3A_1068 = vector.extract_strided_slice %get3A_1060 {offsets = [3, 0], sizes = [1, 1024], strides = [1, 1]} : vector<16x1024xf32> to vector<1x1024xf32>
    %sub3A_1069 = arith.subf %slice3A_1063, %slice3A_1061 : vector<1024x1xf32>
    %max3A_1070 = arith.constant 0.000000e+00 : f32
    %max3A_1071 = vector.broadcast %max3A_1070 : f32 to vector<1024x1xf32>
    %max3A_1072 = arith.maximumf %sub3A_1069, %max3A_1071 : vector<1024x1xf32>
    %sub3A_1073 = arith.subf %slice3A_1064, %slice3A_1062 : vector<1024x1xf32>
    %max3A_1074 = arith.constant 0.000000e+00 : f32
    %max3A_1075 = vector.broadcast %max3A_1074 : f32 to vector<1024x1xf32>
    %max3A_1076 = arith.maximumf %sub3A_1073, %max3A_1075 : vector<1024x1xf32>
    %mul3A_1077 = arith.mulf %max3A_1072, %max3A_1076 : vector<1024x1xf32>
    %sub3A_1078 = arith.subf %slice3A_1067, %slice3A_1065 : vector<1x1024xf32>
    %max3A_1079 = arith.constant 0.000000e+00 : f32
    %max3A_1080 = vector.broadcast %max3A_1079 : f32 to vector<1x1024xf32>
    %max3A_1081 = arith.maximumf %sub3A_1078, %max3A_1080 : vector<1x1024xf32>
    %sub3A_1082 = arith.subf %slice3A_1068, %slice3A_1066 : vector<1x1024xf32>
    %max3A_1083 = arith.constant 0.000000e+00 : f32
    %max3A_1084 = vector.broadcast %max3A_1083 : f32 to vector<1x1024xf32>
    %max3A_1085 = arith.maximumf %sub3A_1082, %max3A_1084 : vector<1x1024xf32>
    %mul3A_1086 = arith.mulf %max3A_1081, %max3A_1085 : vector<1x1024xf32>
    %max3A_1087 = vector.broadcast %slice3A_1061 : vector<1024x1xf32> to vector<1024x1024xf32>
    %max3A_1088 = vector.broadcast %slice3A_1065 : vector<1x1024xf32> to vector<1024x1024xf32>
    %max3A_1089 = arith.maximumf %max3A_1087, %max3A_1088 : vector<1024x1024xf32>
    %max3A_1090 = vector.broadcast %slice3A_1062 : vector<1024x1xf32> to vector<1024x1024xf32>
    %max3A_1091 = vector.broadcast %slice3A_1066 : vector<1x1024xf32> to vector<1024x1024xf32>
    %max3A_1092 = arith.maximumf %max3A_1090, %max3A_1091 : vector<1024x1024xf32>
    %min3A_1093 = vector.broadcast %slice3A_1063 : vector<1024x1xf32> to vector<1024x1024xf32>
    %min3A_1094 = vector.broadcast %slice3A_1067 : vector<1x1024xf32> to vector<1024x1024xf32>
    %min3A_1095 = arith.minimumf %min3A_1093, %min3A_1094 : vector<1024x1024xf32>
    %min3A_1096 = vector.broadcast %slice3A_1064 : vector<1024x1xf32> to vector<1024x1024xf32>
    %min3A_1097 = vector.broadcast %slice3A_1068 : vector<1x1024xf32> to vector<1024x1024xf32>
    %min3A_1098 = arith.minimumf %min3A_1096, %min3A_1097 : vector<1024x1024xf32>
    %sub3A_1099 = arith.subf %min3A_1095, %max3A_1089 : vector<1024x1024xf32>
    %max3A_1100 = arith.constant 0.000000e+00 : f32
    %max3A_1101 = vector.broadcast %max3A_1100 : f32 to vector<1024x1024xf32>
    %max3A_1102 = arith.maximumf %sub3A_1099, %max3A_1101 : vector<1024x1024xf32>
    %sub3A_1103 = arith.subf %min3A_1098, %max3A_1092 : vector<1024x1024xf32>
    %max3A_1104 = arith.constant 0.000000e+00 : f32
    %max3A_1105 = vector.broadcast %max3A_1104 : f32 to vector<1024x1024xf32>
    %max3A_1106 = arith.maximumf %sub3A_1103, %max3A_1105 : vector<1024x1024xf32>
    %mul3A_1107 = arith.mulf %max3A_1102, %max3A_1106 : vector<1024x1024xf32>
    %add3A_1108 = vector.broadcast %mul3A_1077 : vector<1024x1xf32> to vector<1024x1024xf32>
    %add3A_1109 = vector.broadcast %mul3A_1086 : vector<1x1024xf32> to vector<1024x1024xf32>
    %add3A_1110 = arith.addf %add3A_1108, %add3A_1109 : vector<1024x1024xf32>
    %sub3A_1111 = arith.subf %add3A_1110, %mul3A_1107 : vector<1024x1024xf32>
    %div3A_1112 = arith.divf %mul3A_1107, %sub3A_1111 : vector<1024x1024xf32>
    %gt3A_1113 = arith.constant 6.000000e-01 : f32
    %gt3A_1114 = vector.broadcast %gt3A_1113 : f32 to vector<1024x1024xf32>
    %gt3A_1115 = arith.cmpf ogt, %div3A_1112, %gt3A_1114 : vector<1024x1024xf32>
    %and3A_1116 = arith.andi %gt3A_1115, %gt3A : vector<1024x1024xi1>
    %convert_element_type3A_1117 = arith.extui %and3A_1116 : vector<1024x1024xi1> to vector<1024x1024xi32>
    %convert_element_type3A_1118 = arith.sitofp %convert_element_type3A_1117 : vector<1024x1024xi32> to vector<1024x1024xf32>
    %get3A_1119 = arith.constant 0 : index
    %get3A_1120 = arith.constant 4096 : index
    %get3A_1121 = vector.load %arg2[%get3A_1119, %get3A_1120] : memref<1x5120xf32, #tpu.memory_space<vmem>>, vector<1x1024xf32>
    %while3A_1122 = arith.constant 1 : i32
    %while3A_1123:2 = scf.while (%while3A_1153 = %get3A_1121, %while3A_1154 = %while3A_1122) : (vector<1x1024xf32>, i32) -> (vector<1x1024xf32>, i32) {
      %gt3A_1155 = arith.constant 0 : i32
      %gt3A_1156 = arith.cmpi sgt, %while3A_1154, %gt3A_1155 : i32
      scf.condition(%gt3A_1156) %while3A_1153, %while3A_1154 : vector<1x1024xf32>, i32
    } do {
    ^bb0(%while3A_1153: vector<1x1024xf32>, %while3A_1154: i32):
      %dot_general3A_1155 = arith.constant dense<0.000000e+00> : vector<1x1024xf32>
      %dot_general3A_1156 = tpu.matmul %while3A_1153, %convert_element_type3A_1118, %dot_general3A_1155 {dimension_numbers = #tpu.dot_dimension_numbers<[1], [0], [0], [1], [0, 0, 1, 1], [], []>, transpose_lhs_hint = false} : vector<1x1024xf32>, vector<1024x1024xf32>, vector<1x1024xf32> -> vector<1x1024xf32>
      %eq3A_1157 = arith.constant 0.000000e+00 : f32
      %eq3A_1158 = vector.broadcast %eq3A_1157 : f32 to vector<1x1024xf32>
      %eq3A_1159 = arith.cmpf oeq, %dot_general3A_1156, %eq3A_1158 : vector<1x1024xf32>
      %convert_element_type3A_1160 = arith.extui %eq3A_1159 : vector<1x1024xi1> to vector<1x1024xi32>
      %convert_element_type3A_1161 = arith.sitofp %convert_element_type3A_1160 : vector<1x1024xi32> to vector<1x1024xf32>
      %mul3A_1162 = arith.mulf %get3A_1121, %convert_element_type3A_1161 : vector<1x1024xf32>
      %ne3A = arith.cmpf one, %mul3A_1162, %while3A_1153 : vector<1x1024xf32>
      %reduce_or3A = arith.constant 1.000000e+00 : f32
      %reduce_or3A_1163 = arith.constant 0.000000e+00 : f32
      %reduce_or3A_1164 = vector.broadcast %reduce_or3A : f32 to vector<1x1024xf32>
      %reduce_or3A_1165 = vector.broadcast %reduce_or3A_1163 : f32 to vector<1x1024xf32>
      %reduce_or3A_1166 = arith.select %ne3A, %reduce_or3A_1164, %reduce_or3A_1165 : vector<1x1024xi1>, vector<1x1024xf32>
      %reduce_or3A_1167 = vector.shape_cast %reduce_or3A_1166 : vector<1x1024xf32> to vector<1x1x1024xf32>
      %reduce_or3A_1168 = arith.constant dense<0xFF800000> : vector<1xf32>
      %reduce_or3A_1169 = vector.multi_reduction <maximumf>, %reduce_or3A_1167, %reduce_or3A_1168 [1, 2] : vector<1x1x1024xf32> to vector<1xf32>
      %reduce_or3A_1170 = vector.shape_cast %reduce_or3A_1169 : vector<1xf32> to vector<1x1x1xf32>
      %reduce_or3A_1171 = vector.extract %reduce_or3A_1170[0, 0, 0] : f32 from vector<1x1x1xf32>
      %reduce_or3A_1172 = arith.constant 0.000000e+00 : f32
      %reduce_or3A_1173 = arith.cmpf ogt, %reduce_or3A_1171, %reduce_or3A_1172 : f32
      %convert_element_type3A_1174 = arith.extui %reduce_or3A_1173 : i1 to i32
      scf.yield %mul3A_1162, %convert_element_type3A_1174 : vector<1x1024xf32>, i32
    }
    %swap3A_1124 = arith.constant 0 : index
    %swap3A_1125 = arith.constant 4096 : index
    %swap3A_1126 = vector.load %arg2[%swap3A_1124, %swap3A_1125] : memref<1x5120xf32, #tpu.memory_space<vmem>>, vector<1x1024xf32>
    tpu.vector_store %arg2[%swap3A_1124, %swap3A_1125], %while3A_1123#0 {strides = array<i32>} : memref<1x5120xf32, #tpu.memory_space<vmem>>, vector<1x1024xf32>,
    %get3A_1127 = arith.constant 0 : index
    %get3A_1128 = arith.constant 0 : index
    %get3A_1129 = vector.load %arg2[%get3A_1127, %get3A_1128] : memref<1x5120xf32, #tpu.memory_space<vmem>>, vector<1x5120xf32>
    %get3A_1130 = arith.constant 0 : index
    %get3A_1131 = arith.constant 0 : index
    %get3A_1132 = vector.load %arg3[%get3A_1130, %get3A_1131] : memref<16x5120xf32, #tpu.memory_space<vmem>>, vector<4x5120xf32>
    %mul3A_1133 = vector.broadcast %get3A_1129 : vector<1x5120xf32> to vector<4x5120xf32>
    %mul3A_1134 = arith.mulf %get3A_1132, %mul3A_1133 : vector<4x5120xf32>
    %swap3A_1135 = arith.constant 0 : index
    %swap3A_1136 = arith.constant 0 : index
    %swap3A_1137 = vector.load %arg1[%swap3A_1135, %swap3A_1136] : memref<8x5120xf32, #tpu.memory_space<vmem>>, vector<4x5120xf32>
    tpu.vector_store %arg1[%swap3A_1135, %swap3A_1136], %mul3A_1134 {strides = array<i32>} : memref<8x5120xf32, #tpu.memory_space<vmem>>, vector<4x5120xf32>,
    %get3A_1138 = arith.constant 4 : index
    %get3A_1139 = arith.constant 0 : index
    %get3A_1140 = vector.load %arg3[%get3A_1138, %get3A_1139] : memref<16x5120xf32, #tpu.memory_space<vmem>>, vector<1x5120xf32>
    %max3A_1141 = arith.constant 9.99999993E-9 : f32
    %max3A_1142 = vector.broadcast %max3A_1141 : f32 to vector<1x5120xf32>
    %max3A_1143 = arith.maximumf %get3A_1140, %max3A_1142 : vector<1x5120xf32>
    %sqrt3A = math.sqrt %max3A_1143 : vector<1x5120xf32>
    %mul3A_1144 = arith.mulf %sqrt3A, %get3A_1129 : vector<1x5120xf32>
    %swap3A_1145 = arith.constant 4 : index
    %swap3A_1146 = arith.constant 0 : index
    %swap3A_1147 = vector.load %arg1[%swap3A_1145, %swap3A_1146] : memref<8x5120xf32, #tpu.memory_space<vmem>>, vector<1x5120xf32>
    tpu.vector_store %arg1[%swap3A_1145, %swap3A_1146], %mul3A_1144 {strides = array<i32>} : memref<8x5120xf32, #tpu.memory_space<vmem>>, vector<1x5120xf32>,
    %broadcast_in_dim3A_1148 = arith.constant 0.000000e+00 : f32
    %broadcast_in_dim3A_1149 = vector.broadcast %broadcast_in_dim3A_1148 : f32 to vector<3x5120xf32>
    %swap3A_1150 = arith.constant 5 : index
    %swap3A_1151 = arith.constant 0 : index
    %swap3A_1152 = vector.load %arg1[%swap3A_1150, %swap3A_1151] : memref<8x5120xf32, #tpu.memory_space<vmem>>, vector<3x5120xf32>
    tpu.vector_store %arg1[%swap3A_1150, %swap3A_1151], %broadcast_in_dim3A_1149 {strides = array<i32>} : memref<8x5120xf32, #tpu.memory_space<vmem>>, vector<3x5120xf32>,
    return
  }
}

</mosaic_0001>

<sc_bundles>
// kernel: kernel.4.cloned.1.call-start
scs
__scs_entry_jumppad:
0x0: {  	(pc) =	sbr.rel $0x88, $3  }
0x1: {  	(tag) =	ssettag $0x0;
	lr =	simm.s32 $0x1  }
0x2: {  	[smem:$0x3F9F] =	sst lr;
	_ =	strace $0xD0000000  }
0x3: {  	_ = 	snop  }
0x4: {  	_ = 	snop  }
0x5: {  	_ = 	snop  }
0x6: {  	_ = 	snop  }
0x7: {  	_ = 	snop  }
__scs_overlays_trampoline_lowered:
0x8: {  	[smem:$0x3FAE] =	sst s0  }
0x9: {  	[smem:$0x3FAF] =	sst s1  }
0xa: {  	[smem:$0x3FB0] =	sst s2  }
0xb: {  	[smem:$0x3FB1] =	sst s3  }
0xc: {  	[smem:$0x3FB2] =	sst s4  }
0xd: {  	[smem:$0x3FB3] =	sst s5  }
0xe: {  	[smem:$0x3FB4] =	sst s6  }
0xf: {  	[smem:$0x3FB5] =	sst s7  }
0x10: {  	[smem:$0x3FB6] =	sst s8  }
0x11: {  	[smem:$0x3FB7] =	sst s9;
	s0 =	simm.s32 @!p0 $0x0  }
0x12: {  	s1 =	sld [smem:$0x3F9D];
	s0 =	simm.s32 @p0 $0x1  }
0x13: {  	[smem:$0x3FB8] =	sst s0;
	s0 =	simm.s32 @!p1 $0x0  }
0x14: {  	s2 =	sld [smem:$0x3F9C];
	s0 =	simm.s32 @p1 $0x1  }
0x15: {  	[smem:$0x3FB9] =	sst s0;
	s0 =	simm.s32 @!p2 $0x0  }
0x16: {  	s3 =	sld [smem:$0x3FDB];
	s0 =	simm.s32 @p2 $0x1  }
0x17: {  	s4 =	simm.s32 $0x1BF5;
	[smem:$0x3FBB] =	sst s0  }
0x18: {  	s0 =	sld [smem:$0x3F9E];
	_ =	swait.ge [sflag:s4], $0x0  }
0x19: {  	s7 =	sld [smem:$0x3F9F]  }
0x1a: {  	s8 =	sadd.s32 $0xFFFFE003, lr  }
0x1b: {  	s9 =	sadd.s32 $0xFFFFFEF7, lr;
	s5 =	simm.s32 $0xFFFFFFFF;
	p2 =	slt.u32 s8, $0xFFFFF086  }
0x1c: {  	p1 =	slt.u32 s9, $0xF7A;
	s5 =	simm.s32 @!p2 $0x0  }
0x1d: {  	s5 =	simm.s32 @p1 $0x1;
	p0 =	seq.s32 s7, s2  }
0x1e: {  	s7 =	smul.u32 @!p0 $0xF7A, s2;
	p2 =	seq.s32 @!p0 s5, $0x0  }
0x1f: {  	s9 =	smul.u32 $0xF7A, s1;
	s8 =	simm.s32 @!p0 $0x1BF5;
	p2 =	por !p2, p0  }
0x20: {  	[sflag:s8] =	ssyncset.s32 @!p0 $0xFFFFF086;
	s6 =	sadd.s32 @!p0 s3, s7;
	s7 =	simm.s32 @!p0 $0x108  }
0x21: {  	s3 =	sadd.s32 s3, s9;
	s6 =	sadd.s32 @!p0 $0x88, s6;
	s7 =	simm.s32 @p2 $0x1082  }
0x22: {  	[simem:s7], [sflag:s8] =	dma.local @!p0 [hbm:s6], $0xF7A  }
0x23: {  	s9 =	sor.u32 $0xD0000000, s2;
	s6 =	simm.s32 $0x108;
	_ =	swait.ge @!p0 [sflag:s8], $0x0  }
0x24: {  	s3 =	sadd.s32 $0x88, s3;
	s6 =	simm.s32 @!p1 $0x1082;
	[sflag:s4] =	ssyncset.s32 $0xFFFFF086  }
0x25: {  	[simem:s6], [sflag:s4] =	dma.local [hbm:s3], $0xF7A  }
0x26: {  	[smem:$0x3F9F] =	sst s1;
	(tag) =	ssettag s2;
	_ =	strace s9  }
0x27: {  	s1 =	sld [smem:$0x3FAF]  }
0x28: {  	s2 =	sld [smem:$0x3FB0]  }
0x29: {  	s4 =	sld [smem:$0x3FB2]  }
0x2a: {  	p0 =	seq.s32 s5, $0x0;
	s5 =	sld [smem:$0x3FB3]  }
0x2b: {  	s6 =	sld [smem:$0x3FB4]  }
0x2c: {  	s7 =	sld [smem:$0x3FB5]  }
0x2d: {  	s3 =	simm.s32 $0x108;
	s8 =	sld [smem:$0x3FB6]  }
0x2e: {  	s3 =	simm.s32 @!p0 $0x1082;
	s9 =	sld [smem:$0x3FB7]  }
0x2f: {  	lr =	sadd.s32 s0, s3;
	s0 =	sld [smem:$0x3FAE]  }
0x30: {  	s3 =	sld [smem:$0x3FB1]  }
0x31: {  	[smem:$0x3FBA] =	sst s10  }
0x32: {  	s10 =	sld [smem:$0x3FB8];
	_ =	sdelay $0x3  }
0x33: {  	p0 =	seq.s32 s10, $0x1;
	s10 =	sld [smem:$0x3FBA];
	_ =	sdelay $0x3  }
0x34: {  	[smem:$0x3FBA] =	sst s10  }
0x35: {  	s10 =	sld [smem:$0x3FB9];
	_ =	sdelay $0x3  }
0x36: {  	p1 =	seq.s32 s10, $0x1;
	s10 =	sld [smem:$0x3FBA];
	_ =	sdelay $0x3  }
0x37: {  	[smem:$0x3FBA] =	sst s10  }
0x38: {  	s10 =	sld [smem:$0x3FBB]  }
0x39: {  	_ = 	snop;
	(pc) =	sbr.ind lr, $3  }
0x3a: {  	_ = 	snop  }
0x3b: {  	_ = 	snop  }
0x3c: {  	p2 =	seq.s32 s10, $0x1;
	s10 =	sld [smem:$0x3FBA]  }
0x3d: {  	_ =	shalt  }
0x3e: {  	_ =	shalt  }
0x3f: {  	_ =	shalt  }
0x40: {  	_ =	shalt  }
0x41: {  	_ =	shalt  }
0x42: {  	_ =	shalt  }
0x43: {  	_ =	shalt  }
0x44: {  	_ =	shalt  }
0x45: {  	_ =	shalt  }
0x46: {  	_ =	shalt  }
0x47: {  	_ =	shalt  }
0x48: {  	_ =	shalt  }
0x49: {  	_ =	shalt  }
0x4a: {  	_ =	shalt  }
0x4b: {  	_ =	shalt  }
0x4c: {  	_ =	shalt  }
0x4d: {  	_ =	shalt  }
0x4e: {  	_ =	shalt  }
0x4f: {  	_ =	shalt  }
0x50: {  	_ =	shalt  }
0x51: {  	_ =	shalt  }
0x52: {  	_ =	shalt  }
0x53: {  	_ =	shalt  }
0x54: {  	_ =	shalt  }
0x55: {  	_ =	shalt  }
0x56: {  	_ =	shalt  }
0x57: {  	_ =	shalt  }
0x58: {  	_ =	shalt  }
0x59: {  	_ =	shalt  }
0x5a: {  	_ =	shalt  }
0x5b: {  	_ =	shalt  }
0x5c: {  	_ =	shalt  }
0x5d: {  	_ =	shalt  }
0x5e: {  	_ =	shalt  }
0x5f: {  	_ =	shalt  }
0x60: {  	_ =	shalt  }
0x61: {  	_ =	shalt  }
0x62: {  	_ =	shalt  }
0x63: {  	_ =	shalt  }
0x64: {  	_ =	shalt  }
0x65: {  	_ =	shalt  }
0x66: {  	_ =	shalt  }
0x67: {  	_ =	shalt  }
0x68: {  	_ =	shalt  }
0x69: {  	_ =	shalt  }
0x6a: {  	_ =	shalt  }
0x6b: {  	_ =	shalt  }
0x6c: {  	_ =	shalt  }
0x6d: {  	_ =	shalt  }
0x6e: {  	_ =	shalt  }
0x6f: {  	_ =	shalt  }
0x70: {  	_ =	shalt  }
0x71: {  	_ =	shalt  }
0x72: {  	_ =	shalt  }
0x73: {  	_ =	shalt  }
0x74: {  	_ =	shalt  }
0x75: {  	_ =	shalt  }
0x76: {  	_ =	shalt  }
0x77: {  	_ =	shalt  }
0x78: {  	_ =	shalt  }
0x79: {  	_ =	shalt  }
0x7a: {  	_ =	shalt  }
0x7b: {  	_ =	shalt  }
0x7c: {  	_ =	shalt  }
0x7d: {  	_ =	shalt  }
0x7e: {  	_ =	shalt  }
0x7f: {  	_ =	shalt  }
0x80: {  	_ =	shalt  }
0x81: {  	_ =	shalt  }
0x82: {  	_ =	shalt  }
0x83: {  	_ =	shalt  }
0x84: {  	_ =	shalt  }
0x85: {  	_ =	shalt  }
0x86: {  	_ =	shalt  }
0x87: {  	_ =	shalt  }
.Lfunc_end0:
.L_simem_size_0:
called_computation_lowered:
.L_overlay_start_0:
0x88: {  	s2 =	sld [smem:$0x3FD9]  }
0x89: {  	s3 =	sld [smem:$0x3FFE];
	_ =	sdelay $0x1  }
0x8a: {  	s1 =	srdreg.scid  }
0x8b: {  	s0 =	sand.u32 $0x1, s1  }
0x8c: {  	s17 =	sshll.u32 s0, $0xA;
	s2 =	sadd.s32 s3, s2  }
0x8d: {  	s2 =	sadd.s32 s2, s17  }
0x8e: {  	[smem:$0x3FC6] =	sst s2  }
0x8f: {  	_ = 	snop  }
0x90: {  	s2 =	sld [smem:$0x3FD0];
	(tm) =	ssettm $0x1  }
0x91: {  	s18 =	sld [smem:$0x3FFB];
	_ =	sdelay $0x3  }
0x92: {  	_ =	strace s18  }
0x93: {  	s3 =	sld [smem:$0x3FFC];
	_ =	sdelay $0x3  }
0x94: {  	_ =	strace s3  }
0x95: {  	s3 =	sld [smem:$0x3FFD];
	_ =	sdelay $0x3  }
0x96: {  	_ =	strace s3  }
0x97: {  	_ =	strace $0x8FFFFFFF  }
0x98: {  	s19 =	sld [smem:$0x3FDB];
	_ =	sdelay $0x1  }
0x99: {  	s4 =	simm.s32 $_scs_section_size  }
0x9a: {  	s5 =	simm.s32 $_size__tile_overlayer_lowered;
	s6 =	simm.s32 $_tile_overlayer_lowered  }
0x9b: {  	s22 =	simm.s32 $0x1BFF;
	s21 =	sshll.u32 s6, $0x1;
	s3 =	sadd.s32 s4, s19  }
0x9c: {  	s7 =	simm.s32 $0x0;
	s20 =	sshll.u32 s5, $0x1;
	s5 =	sadd.s32 s21, s3  }
0x9d: {  	[timem:s7], [sflag:s22] =	dma.local [hbm:s5], s20  }
0x9e: {  	_ =	swait.ge [sflag:s22], s20  }
0x9f: {  	s4 =	ssub.s32 $0x0, s20;
	[sflag:s22] =	ssyncset.done $0x0  }
0xa0: {  	[sflag:s22] =	ssyncadd.s32 s4;
	_ =	sdelay $0x1  }
0xa1: {  	s23 =	simm.s32 $0x1B8B  }
0xa2: {  	_ =	swait.ge [sflag:s23], $0x1  }
0xa3: {  	[sflag:s23] =	ssyncset.done $0x0  }
0xa4: {  	s25 =	simm.s32 $0x1B8E;
	s24 =	sld [smem:$0x3FFE];
	[sflag:s23] =	ssyncadd.s32 $0xFFFFFFFF  }
0xa5: {  	s26 =	simm.s32 $execute0_lowered;
	[smem:$0x3FD2] =	sst s25  }
0xa6: {  	s5 =	sshll.u32 s26, $0x1;
	_ =	strace $0x80000046;
	[dreg:$0x1] =	wrdreg $0xFFFFFFFF  }
0xa7: {  	s28 =	simm.s32 $_size_execute0_lowered;
	s3 =	sadd.s32 s3, s5;
	[dreg:$0x0] =	wrdreg $0x0  }
0xa8: {  	s5 =	sshll.u32 s28, $0x1;
	[dreg:$0x2] =	wrdreg s3  }
0xa9: {  	[dreg:$0x3] =	wrdreg s5  }
0xaa: {  	[dreg:$0x4] =	wrdreg $0xC0  }
0xab: {  	_ =	task [dreg:s7], $0x5FFFF  }
0xac: {  	[dreg:$0x1] =	wrdreg $0xFFFFFFFF  }
0xad: {  	[dreg:$0x0] =	wrdreg $0x60  }
0xae: {  	[dreg:$0x2] =	wrdreg s24  }
0xaf: {  	[dreg:$0x3] =	wrdreg s2  }
0xb0: {  	[dreg:$0x4] =	wrdreg $0x9  }
0xb1: {  	_ =	task.clear_ibuf [dreg:s7], $0x5FFFF;
	_ =	strace $0x90000046  }
0xb2: {  	s29 =	simm.s32 $0x9;
	_ =	strace $0x80000048  }
0xb3: {  	_ =	swait.ge [sflag:s29], $0x1  }
0xb4: {  	[sflag:s29] =	ssyncadd.s32 $0xFFFFFFFF  }
0xb5: {  	_ =	strace $0x90000048  }
0xb6: {  	_ =	sfence  }
0xb7: {  	s30 =	sld [smem:$0x0];
	_ =	sdelay $0x2  }
0xb8: {  	s31 =	sshll.u32 s1, $0xD;
	s1 =	sshrl.u32 s1, $0x2  }
0xb9: {  	s3 =	sand.u32 $0x4000, s31;
	s1 =	sadd.s32 s1, s30  }
0xba: {  	s0 =	sor.u32 s3, s0;
	s1 =	sshll.u32 s1, $0x11  }
0xbb: {  	s0 =	sor.u32 s1, s0  }
0xbc: {  	s0 =	sadd.s32 $0x8F2B, s0  }
0xbd: {  	[sflag:s0] =	ssyncadd.remote.s32 $0x1  }
0xbe: {  	_ =	sfence.sel $0xFFFF  }
0xbf: {  	[dreg:$0x0] =	wrdreg $0xFFFFFFFF;
	(pc) =	sbr.abs _section_cstart, $3  }
0xc0: {  	[dreg:$0x1] =	wrdreg $0xFFFFFFFF  }
0xc1: {  	_ =	task.clear_ibuf [dreg:s7], $0x2FFFF;
	_ =	strace $0x9FFFFFFF  }
0xc2: {  	(tm) =	ssettm $0x7FFFFFFF  }
0xc3: {  	_ =	shalt  }
tec
execute0_lowered:
.L_overlay_start_1:
0x0: {  	(tag) =	ssettag $0x1  }
0x1: {  	s1 =	srdreg.scid;
	s0 =	stileid.u32  }
0x2: {  	s10 =	sand.u32 $0x1, s1;
	s28 =	sshll.u32 s0, $0x1  }
0x3: {  	s2 =	rddreg [dreg:$0x0];
	s8 =	sor.u32 s10, s28  }
0x4: {  	s9 =	rddreg [dreg:$0x1];
	s11 =	smul.u32 $0xA0, s8  }
0x5: {  	s3 =	simm.s32 $0x0;
	s1 =	rddreg [dreg:$0x2]  }
0x6: {  	[smem:$0x7FF] =	sst s3;
	s4 =	sshrl.u32 s11, $0x3  }
0x7: {  	_ =	strace $0x80000047;
	s5 =	sadd.s32 s9, s4;
	s4 =	simm.s32 $0x2  }
0x8: {  	[tilespmem:s3], [sflag:$0x2] =	stream.linear.gather [hbm4b:s5+s3], $0x50, $0x38;
	[tilespmem:$0x550] =	vst v63  }
0x9: {  	_ =	swait.ge [sflag:s4], $0x50  }
0xa: {  	[sflag:s4] =	ssyncset.done $0x0  }
0xb: {  	s6 =	simm.s32 $0x50;
	s7 =	simm.s32 $0x1;
	[sflag:s4] =	ssyncadd.s32 $0xFFFFFFB0  }
0xc: {  	[tilespmem:s6], [sflag:$0x1] =	stream.indirect.gather [hbm4b:s2+s6], $0x10, s3, s6, $0xb8;
	[tilespmem:$0x550] =	vst v63  }
0xd: {  	s8 =	smul.u32 $0x140, s8;
	_ =	swait.ge [sflag:s7], $0x500  }
0xe: {  	s12 =	sadd.s32 $0x2800, s2;
	[sflag:s7] =	ssyncset.done $0x0  }
0xf: {  	s8 =	sadd.s32 s12, s8;
	[sflag:s7] =	ssyncadd.s32 $0xFFFFFB00  }
0x10: {  	[hbm4b:s8+s3] =	stream.linear.scatter [tilespmem:s6], [sflag:$0x2], $0x500, $0x38;
	[tilespmem:$0x550] =	vst v63  }
0x11: {  	s11 =	sadd.s32 $0x50, s11;
	_ =	swait.ge [sflag:s4], $0x500  }
0x12: {  	s13 =	sshrl.u32 s11, $0x3;
	[sflag:s4] =	ssyncset.done $0x0  }
0x13: {  	s10 =	ssub.s32 $0x2, s10;
	s9 =	sadd.s32 s9, s13;
	[sflag:s4] =	ssyncadd.s32 $0xFFFFFB00  }
0x14: {  	[tilespmem:s3], [sflag:$0x2] =	stream.linear.gather [hbm4b:s9+s3], $0x50, $0x38;
	[tilespmem:$0x550] =	vst v63  }
0x15: {  	s29 =	sshrl.u32 s10, $0x1;
	_ =	swait.ge [sflag:s4], $0x50  }
0x16: {  	s13 =	ssub.s32 s10, s29;
	[sflag:s4] =	ssyncset.done $0x0  }
0x17: {  	s31 =	smax.u32 s13, $0x1;
	[sflag:s4] =	ssyncadd.s32 $0xFFFFFFB0  }
0x18: {  	[tilespmem:s6], [sflag:$0x1] =	stream.indirect.gather [hbm4b:s2+s6], $0x10, s3, s6, $0xb8;
	[tilespmem:$0x550] =	vst v63  }
0x19: {  	p0 =	sne.s32 s31, $0x1;
	_ =	swait.ge [sflag:s7], $0x500  }
.Ltmp0:
0x1a: {  	s30 =	sshll.u32 s11, $0x1;
	[sflag:s7] =	ssyncset.done $0x0;
	(pc) =	sbr.rel @!p0 .LBB2_2-.Ltmp0, $4  }
0x1b: {  	s10 =	sadd.s32 s12, s30;
	[sflag:s7] =	ssyncadd.s32 $0xFFFFFB00  }
0x1c: {  	[hbm4b:s10+s3] =	stream.linear.scatter [tilespmem:s6], [sflag:$0x2], $0x500, $0x38;
	[tilespmem:$0x550] =	vst v63  }
0x1d: {  	_ =	swait.ge [sflag:s4], $0x500  }
0x1e: {  	s11 =	sadd.s32 $0xFFFFFFFF, s31;
	[sflag:s4] =	ssyncset.done $0x0  }
.LBB2_1:
0x1f: {  	p0 =	sne.s32 s11, $0x1;
	s11 =	sadd.s32 $0xFFFFFFFF, s11;
	[sflag:s4] =	ssyncadd.s32 $0xFFFFFB00  }
0x20: {  	[tilespmem:s3], [sflag:$0x2] =	stream.linear.gather [hbm4b:s5+s3], $0x50, $0x38;
	[tilespmem:$0x550] =	vst v63  }
0x21: {  	_ =	swait.ge [sflag:s4], $0x50  }
0x22: {  	[sflag:s4] =	ssyncset.done $0x0  }
0x23: {  	[sflag:s4] =	ssyncadd.s32 $0xFFFFFFB0  }
0x24: {  	[tilespmem:s6], [sflag:$0x1] =	stream.indirect.gather [hbm4b:s2+s6], $0x10, s3, s6, $0xb8;
	[tilespmem:$0x550] =	vst v63  }
0x25: {  	_ =	swait.ge [sflag:s7], $0x500  }
0x26: {  	[sflag:s7] =	ssyncset.done $0x0  }
0x27: {  	[sflag:s7] =	ssyncadd.s32 $0xFFFFFB00  }
0x28: {  	[hbm4b:s8+s3] =	stream.linear.scatter [tilespmem:s6], [sflag:$0x2], $0x500, $0x38;
	[tilespmem:$0x550] =	vst v63  }
0x29: {  	_ =	swait.ge [sflag:s4], $0x500  }
0x2a: {  	[sflag:s4] =	ssyncset.done $0x0  }
0x2b: {  	[sflag:s4] =	ssyncadd.s32 $0xFFFFFB00  }
0x2c: {  	[tilespmem:s3], [sflag:$0x2] =	stream.linear.gather [hbm4b:s9+s3], $0x50, $0x38;
	[tilespmem:$0x550] =	vst v63  }
0x2d: {  	_ =	swait.ge [sflag:s4], $0x50  }
0x2e: {  	[sflag:s4] =	ssyncset.done $0x0  }
0x2f: {  	[sflag:s4] =	ssyncadd.s32 $0xFFFFFFB0  }
0x30: {  	[tilespmem:s6], [sflag:$0x1] =	stream.indirect.gather [hbm4b:s2+s6], $0x10, s3, s6, $0xb8;
	[tilespmem:$0x550] =	vst v63  }
0x31: {  	_ =	swait.ge [sflag:s7], $0x500  }
.Ltmp1:
0x32: {  	[sflag:s7] =	ssyncset.done $0x0;
	(pc) =	sbr.rel @p0 .LBB2_1-.Ltmp1, $4  }
0x33: {  	[sflag:s7] =	ssyncadd.s32 $0xFFFFFB00  }
0x34: {  	[hbm4b:s10+s3] =	stream.linear.scatter [tilespmem:s6], [sflag:$0x2], $0x500, $0x38;
	[tilespmem:$0x550] =	vst v63  }
0x35: {  	_ =	swait.ge [sflag:s4], $0x500  }
0x36: {  	[sflag:s4] =	ssyncset.done $0x0  }
.LBB2_2:
0x37: {  	[sflag:s4] =	ssyncadd.s32 $0xFFFFFB00  }
0x38: {  	_ =	sfence.sel $0x180000  }
0x39: {  	[bflag:$0x0] =	sbarrier.arrive $0xFFFF  }
0x3a: {  	p0 =	sne.s32 s0, $0x0;
	_ =	strace $0x90000047  }
0x3b: {  	s0 =	sadd.s32 @!p0 $0x100000, s1;
	[bflag:$0x2] =	sbarrier.arrive $0xFFFF  }
0x3c: {  	[sflag:s0] =	ssyncadd.tile.s32 @!p0 $0x1;
	_ =	shalt  }
.Lfunc_end2:
_tile_overlayer_lowered:
.L_overlay_start_2:
0x3d: {  	(tag) =	ssettag $0x2  }
0x3e: {  	s0 =	rddreg [dreg:$0x0];
	s2 =	stileid.u32  }
0x3f: {  	s1 =	rddreg [dreg:$0x1];
	p0 =	sne.s32 s2, $0x0  }
0x40: {  	s3 =	rddreg [dreg:$0x2];
	[bflag:$0x3] =	sbarrier.arrive $0xFFFF;
	s2 =	simm.s32 @!p0 $0x1C02  }
0x41: {  	[timem:s3], [sflag:s2] =	dma.local @!p0 [hbm:s0], s1  }
0x42: {  	s0 =	simm.s32 @!p0 $0x2  }
0x43: {  	_ =	swait.ge @!p0 [sflag:s0], s1  }
0x44: {  	s1 =	ssub.s32 @!p0 $0x0, s1;
	[sflag:s0] =	ssyncset.done @!p0 $0x0  }
0x45: {  	[sflag:s0] =	ssyncadd.s32 @!p0 s1  }
0x46: {  	[bflag:$0x3] =	sbarrier.arrive $0xFFFF  }
0x47: {  	_ =	shalt  }

</sc_bundles>
